<compile_context>
chip_gen: v7x
topology: tpu7x:2x2x1
jax: 0.10.2.dev20260603
libtpu: 0.0.44.dev20260713+nightly
codegen_flags: <defaults>
</compile_context>

<pallas_src>
import functools

import jax
import jax.numpy as jnp
from jax import lax
from jax.experimental import pallas as pl
from jax.experimental.pallas import tpu as pltpu
from jax.experimental.pallas import tpu_sc as plsc

_DIM = 32
_NC, _NS = 2, 16
_NW = _NC * _NS
_BCHUNK = 8


def _make_gather(batch, hist, vocab):
    assert batch % (_NW * _BCHUNK) == 0
    n_chunks = batch // (_NW * _BCHUNK)
    assert n_chunks % 2 == 0 and n_chunks >= 4
    b_per_w = n_chunks * _BCHUNK
    mesh = plsc.VectorSubcoreMesh(core_axis_name="c", subcore_axis_name="s")

    @functools.partial(
        pl.kernel,
        mesh=mesh,
        out_type=jax.ShapeDtypeStruct((batch, hist, _DIM), jnp.float32),
        compiler_params=pltpu.CompilerParams(use_tc_tiling_on_sc=False),
        scratch_types=[
            pltpu.VMEM((b_per_w, hist), jnp.int32),
            pltpu.VMEM((_BCHUNK, hist, _DIM), jnp.float32),
            pltpu.VMEM((_BCHUNK, hist, _DIM), jnp.float32),
            pltpu.SemaphoreType.DMA,
            pltpu.SemaphoreType.DMA,
        ],
    )
    def gather_kernel(idx_hbm, table_hbm, out_hbm, idx_v, rows0, rows1,
                      sem0, sem1):
        wid = lax.axis_index("s") * _NC + lax.axis_index("c")
        b_base = wid * b_per_w
        pltpu.sync_copy(idx_hbm.at[pl.ds(b_base, b_per_w)], idx_v)

        bufs = (rows0, rows1)
        sems = (sem0, sem1)

        def _copies(c, slot):
            for i in range(_BCHUNK):
                yield pltpu.make_async_copy(
                    table_hbm.at[idx_v.at[c * _BCHUNK + i]],
                    bufs[slot].at[i],
                    sems[slot],
                )

        def issue(c, slot):
            for cp in _copies(c, slot):
                cp.start()

        def drain(c, slot):
            for cp in _copies(c, slot):
                cp.wait()

        def flush(c, slot):
            pltpu.sync_copy(
                bufs[slot],
                out_hbm.at[pl.ds(b_base + c * _BCHUNK, _BCHUNK)])

        issue(0, 0)
        issue(1, 1)
        drain(0, 0)
        flush(0, 0)

        def body(t, carry):
            c = 2 * t + 1
            issue(c + 1, 0)
            drain(c, 1)
            flush(c, 1)
            issue(c + 2, 1)
            drain(c + 1, 0)
            flush(c + 1, 0)
            return carry

        lax.fori_loop(0, n_chunks // 2 - 1, body, 0)
        drain(n_chunks - 1, 1)
        flush(n_chunks - 1, 1)

    return gather_kernel


def kernel(data, ivectors):
    b, h = data.shape
    vocab, dim = ivectors.shape
    assert dim == _DIM
    idx = data.astype(jnp.int32)
    return _make_gather(b, h, vocab)(idx, ivectors)

# --- scband reference (transcript-rebuilt; emitter-appended) ---
"""Pipeline reference for scband-word2-vec-876173328949 (READ-ONLY COPY).

The authoritative reference and input builder live on the scoring server;
editing this copy changes nothing except your own understanding.
"""

import jax, jax.numpy as jnp
import numpy as np

VOCAB = 1000000
DIM = 32
BATCH = 16384
HIST = 50

def setup_inputs(seed: int = 0) -> dict:
    key = jax.random.key(seed)
    k_idx, k_w = jax.random.split(key)
    data = jax.random.randint(k_idx, (BATCH, HIST), 0, VOCAB, dtype=jnp.int64) if jax.config.jax_enable_x64 else jax.random.randint(k_idx, (BATCH, HIST), 0, VOCAB, dtype=jnp.int32)
    ivectors = jax.random.normal(k_w, (VOCAB, DIM), dtype=jnp.float32) * 0.02
    return {"data": data, "ivectors": ivectors}

def reference(data, ivectors):
    # Word2Vec.forward in training mode: embedding lookup into input-vector table
    x = jnp.take(ivectors, data, axis=0)
    return x

if __name__ == "__main__":
    import jax
    _d = setup_inputs()
    print(jax.jit(kernel)(*tuple(_d.values())))

</pallas_src>

<mosaic_0001>
#map = affine_map<(d0, d1) -> (0, 0)>
#map1 = affine_map<(d0, d1) -> (0, 0, 0)>
module attributes {stable_mosaic.version = 14 : i64} {
  func.func @gather_kernel(%arg0: i32, %arg1: i32, %arg2: memref<16384x50xi32, #tpu.memory_space<hbm>>, %arg3: memref<1000000x32xf32, #tpu.memory_space<hbm>>, %arg4: memref<16384x50x32xf32, #tpu.memory_space<hbm>>, %arg5: memref<512x50xi32, #tpu.memory_space<vmem>>, %arg6: memref<8x50x32xf32, #tpu.memory_space<vmem>>, %arg7: memref<8x50x32xf32, #tpu.memory_space<vmem>>, %arg8: memref<!tpu.dma_semaphore, #tpu.memory_space<semaphore_mem>>, %arg9: memref<!tpu.dma_semaphore, #tpu.memory_space<semaphore_mem>>) attributes {dimension_semantics = [#tpu.dimension_semantics<core_parallel>, #tpu.dimension_semantics<subcore_parallel>], iteration_bounds = array<i64: 2, 16>, scalar_prefetch = 0 : i64, scratch_operands = 5 : i64, tpu.core_type = #tpu.core_type<sc_vector_subcore>, window_params = [{transform_indices = #map}, {transform_indices = #map}, {transform_indices = #map1}]} {
    %mul3A = arith.constant 2 : i32
    %mul3A_0 = arith.muli %arg1, %mul3A : i32
    %add3A = arith.addi %mul3A_0, %arg0 : i32
    %mul3A_1 = arith.constant 512 : i32
    %mul3A_2 = arith.muli %add3A, %mul3A_1 : i32
    "tpu.region"() ({
      %run_scoped3A = tpu.sem_alloc : memref<!tpu.dma_semaphore, #tpu.memory_space<semaphore_mem>>
      %dma_start3A_394 = arith.constant 0 : i32
      %dma_start3A_395 = tpu.memref_slice %arg2[%mul3A_2, %dma_start3A_394] : memref<16384x50xi32, #tpu.memory_space<hbm>> -> memref<512x50xi32, #tpu.memory_space<hbm>>
      %dma_start3A_396 = arith.constant 0 : i32
      %dma_start3A_397 = tpu.memref_slice %arg2[%mul3A_2, %dma_start3A_396] : memref<16384x50xi32, #tpu.memory_space<hbm>> -> memref<512x50xi32, #tpu.memory_space<hbm>>
      tpu.enqueue_dma source(%dma_start3A_397 : memref<512x50xi32, #tpu.memory_space<hbm>>) target(%arg5 : memref<512x50xi32, #tpu.memory_space<vmem>>) target_semaphore(%run_scoped3A : memref<!tpu.dma_semaphore, #tpu.memory_space<semaphore_mem>>)
      %dma_wait3A_398 = arith.constant 0 : i32
      %dma_wait3A_399 = tpu.memref_slice %arg2[%mul3A_2, %dma_wait3A_398] : memref<16384x50xi32, #tpu.memory_space<hbm>> -> memref<512x50xi32, #tpu.memory_space<hbm>>
      %dma_wait3A_400 = arith.constant 0 : i32
      %dma_wait3A_401 = tpu.memref_slice %arg2[%mul3A_2, %dma_wait3A_400] : memref<16384x50xi32, #tpu.memory_space<hbm>> -> memref<512x50xi32, #tpu.memory_space<hbm>>
      tpu.wait_dma2 semaphore(%run_scoped3A : memref<!tpu.dma_semaphore, #tpu.memory_space<semaphore_mem>>) src(%dma_wait3A_401 : memref<512x50xi32, #tpu.memory_space<hbm>>) dst(%arg5 : memref<512x50xi32, #tpu.memory_space<vmem>>)
      tpu.yield
    }) : () -> ()
    %dma_start3A = arith.constant 0 : i32
    %dma_start3A_3 = arith.constant 0 : i32
    %dma_start3A_4 = arith.constant 0 : i32
    %dma_start3A_5 = arith.constant 0 : i32
    %dma_start3A_6 = tpu.memref_slice %arg6[%dma_start3A_3, %dma_start3A_4, %dma_start3A_5] : memref<8x50x32xf32, #tpu.memory_space<vmem>> -> memref<1x50x32xf32, #tpu.memory_space<vmem>>
    %dma_start3A_7 = tpu.memref_squeeze %dma_start3A_6 : memref<1x50x32xf32, #tpu.memory_space<vmem>> -> memref<50x32xf32, #tpu.memory_space<vmem>>
    %dma_start3A_8 = arith.constant 0 : i32
    %dma_start3A_9 = tpu.memref_slice %arg5[%dma_start3A, %dma_start3A_8] : memref<512x50xi32, #tpu.memory_space<vmem>> -> memref<1x50xi32, #tpu.memory_space<vmem>>
    %dma_start3A_10 = tpu.memref_squeeze %dma_start3A_9 : memref<1x50xi32, #tpu.memory_space<vmem>> -> memref<50xi32, #tpu.memory_space<vmem>>
    %dma_start3A_11 = arith.constant 0 : i32
    %dma_start3A_12 = arith.constant 0 : i32
    %dma_start3A_13 = tpu.memref_slice %arg3[%dma_start3A_11, %dma_start3A_12] : memref<1000000x32xf32, #tpu.memory_space<hbm>> -> memref<1000000x32xf32, #tpu.memory_space<hbm>>
    tpu.enqueue_indirect_dma source(%dma_start3A_13 : memref<1000000x32xf32, #tpu.memory_space<hbm>>) target(%dma_start3A_7 : memref<50x32xf32, #tpu.memory_space<vmem>>) offsets(%dma_start3A_10 : memref<50xi32, #tpu.memory_space<vmem>>) semaphore(%arg8 : memref<!tpu.dma_semaphore, #tpu.memory_space<semaphore_mem>>)
    %dma_start3A_14 = arith.constant 1 : i32
    %dma_start3A_15 = arith.constant 1 : i32
    %dma_start3A_16 = arith.constant 0 : i32
    %dma_start3A_17 = arith.constant 0 : i32
    %dma_start3A_18 = tpu.memref_slice %arg6[%dma_start3A_15, %dma_start3A_16, %dma_start3A_17] : memref<8x50x32xf32, #tpu.memory_space<vmem>> -> memref<1x50x32xf32, #tpu.memory_space<vmem>>
    %dma_start3A_19 = tpu.memref_squeeze %dma_start3A_18 : memref<1x50x32xf32, #tpu.memory_space<vmem>> -> memref<50x32xf32, #tpu.memory_space<vmem>>
    %dma_start3A_20 = arith.constant 0 : i32
    %dma_start3A_21 = tpu.memref_slice %arg5[%dma_start3A_14, %dma_start3A_20] : memref<512x50xi32, #tpu.memory_space<vmem>> -> memref<1x50xi32, #tpu.memory_space<vmem>>
    %dma_start3A_22 = tpu.memref_squeeze %dma_start3A_21 : memref<1x50xi32, #tpu.memory_space<vmem>> -> memref<50xi32, #tpu.memory_space<vmem>>
    %dma_start3A_23 = arith.constant 0 : i32
    %dma_start3A_24 = arith.constant 0 : i32
    %dma_start3A_25 = tpu.memref_slice %arg3[%dma_start3A_23, %dma_start3A_24] : memref<1000000x32xf32, #tpu.memory_space<hbm>> -> memref<1000000x32xf32, #tpu.memory_space<hbm>>
    tpu.enqueue_indirect_dma source(%dma_start3A_25 : memref<1000000x32xf32, #tpu.memory_space<hbm>>) target(%dma_start3A_19 : memref<50x32xf32, #tpu.memory_space<vmem>>) offsets(%dma_start3A_22 : memref<50xi32, #tpu.memory_space<vmem>>) semaphore(%arg8 : memref<!tpu.dma_semaphore, #tpu.memory_space<semaphore_mem>>)
    %dma_start3A_26 = arith.constant 2 : i32
    %dma_start3A_27 = arith.constant 2 : i32
    %dma_start3A_28 = arith.constant 0 : i32
    %dma_start3A_29 = arith.constant 0 : i32
    %dma_start3A_30 = tpu.memref_slice %arg6[%dma_start3A_27, %dma_start3A_28, %dma_start3A_29] : memref<8x50x32xf32, #tpu.memory_space<vmem>> -> memref<1x50x32xf32, #tpu.memory_space<vmem>>
    %dma_start3A_31 = tpu.memref_squeeze %dma_start3A_30 : memref<1x50x32xf32, #tpu.memory_space<vmem>> -> memref<50x32xf32, #tpu.memory_space<vmem>>
    %dma_start3A_32 = arith.constant 0 : i32
    %dma_start3A_33 = tpu.memref_slice %arg5[%dma_start3A_26, %dma_start3A_32] : memref<512x50xi32, #tpu.memory_space<vmem>> -> memref<1x50xi32, #tpu.memory_space<vmem>>
    %dma_start3A_34 = tpu.memref_squeeze %dma_start3A_33 : memref<1x50xi32, #tpu.memory_space<vmem>> -> memref<50xi32, #tpu.memory_space<vmem>>
    %dma_start3A_35 = arith.constant 0 : i32
    %dma_start3A_36 = arith.constant 0 : i32
    %dma_start3A_37 = tpu.memref_slice %arg3[%dma_start3A_35, %dma_start3A_36] : memref<1000000x32xf32, #tpu.memory_space<hbm>> -> memref<1000000x32xf32, #tpu.memory_space<hbm>>
    tpu.enqueue_indirect_dma source(%dma_start3A_37 : memref<1000000x32xf32, #tpu.memory_space<hbm>>) target(%dma_start3A_31 : memref<50x32xf32, #tpu.memory_space<vmem>>) offsets(%dma_start3A_34 : memref<50xi32, #tpu.memory_space<vmem>>) semaphore(%arg8 : memref<!tpu.dma_semaphore, #tpu.memory_space<semaphore_mem>>)
    %dma_start3A_38 = arith.constant 3 : i32
    %dma_start3A_39 = arith.constant 3 : i32
    %dma_start3A_40 = arith.constant 0 : i32
    %dma_start3A_41 = arith.constant 0 : i32
    %dma_start3A_42 = tpu.memref_slice %arg6[%dma_start3A_39, %dma_start3A_40, %dma_start3A_41] : memref<8x50x32xf32, #tpu.memory_space<vmem>> -> memref<1x50x32xf32, #tpu.memory_space<vmem>>
    %dma_start3A_43 = tpu.memref_squeeze %dma_start3A_42 : memref<1x50x32xf32, #tpu.memory_space<vmem>> -> memref<50x32xf32, #tpu.memory_space<vmem>>
    %dma_start3A_44 = arith.constant 0 : i32
    %dma_start3A_45 = tpu.memref_slice %arg5[%dma_start3A_38, %dma_start3A_44] : memref<512x50xi32, #tpu.memory_space<vmem>> -> memref<1x50xi32, #tpu.memory_space<vmem>>
    %dma_start3A_46 = tpu.memref_squeeze %dma_start3A_45 : memref<1x50xi32, #tpu.memory_space<vmem>> -> memref<50xi32, #tpu.memory_space<vmem>>
    %dma_start3A_47 = arith.constant 0 : i32
    %dma_start3A_48 = arith.constant 0 : i32
    %dma_start3A_49 = tpu.memref_slice %arg3[%dma_start3A_47, %dma_start3A_48] : memref<1000000x32xf32, #tpu.memory_space<hbm>> -> memref<1000000x32xf32, #tpu.memory_space<hbm>>
    tpu.enqueue_indirect_dma source(%dma_start3A_49 : memref<1000000x32xf32, #tpu.memory_space<hbm>>) target(%dma_start3A_43 : memref<50x32xf32, #tpu.memory_space<vmem>>) offsets(%dma_start3A_46 : memref<50xi32, #tpu.memory_space<vmem>>) semaphore(%arg8 : memref<!tpu.dma_semaphore, #tpu.memory_space<semaphore_mem>>)
    %dma_start3A_50 = arith.constant 4 : i32
    %dma_start3A_51 = arith.constant 4 : i32
    %dma_start3A_52 = arith.constant 0 : i32
    %dma_start3A_53 = arith.constant 0 : i32
    %dma_start3A_54 = tpu.memref_slice %arg6[%dma_start3A_51, %dma_start3A_52, %dma_start3A_53] : memref<8x50x32xf32, #tpu.memory_space<vmem>> -> memref<1x50x32xf32, #tpu.memory_space<vmem>>
    %dma_start3A_55 = tpu.memref_squeeze %dma_start3A_54 : memref<1x50x32xf32, #tpu.memory_space<vmem>> -> memref<50x32xf32, #tpu.memory_space<vmem>>
    %dma_start3A_56 = arith.constant 0 : i32
    %dma_start3A_57 = tpu.memref_slice %arg5[%dma_start3A_50, %dma_start3A_56] : memref<512x50xi32, #tpu.memory_space<vmem>> -> memref<1x50xi32, #tpu.memory_space<vmem>>
    %dma_start3A_58 = tpu.memref_squeeze %dma_start3A_57 : memref<1x50xi32, #tpu.memory_space<vmem>> -> memref<50xi32, #tpu.memory_space<vmem>>
    %dma_start3A_59 = arith.constant 0 : i32
    %dma_start3A_60 = arith.constant 0 : i32
    %dma_start3A_61 = tpu.memref_slice %arg3[%dma_start3A_59, %dma_start3A_60] : memref<1000000x32xf32, #tpu.memory_space<hbm>> -> memref<1000000x32xf32, #tpu.memory_space<hbm>>
    tpu.enqueue_indirect_dma source(%dma_start3A_61 : memref<1000000x32xf32, #tpu.memory_space<hbm>>) target(%dma_start3A_55 : memref<50x32xf32, #tpu.memory_space<vmem>>) offsets(%dma_start3A_58 : memref<50xi32, #tpu.memory_space<vmem>>) semaphore(%arg8 : memref<!tpu.dma_semaphore, #tpu.memory_space<semaphore_mem>>)
    %dma_start3A_62 = arith.constant 5 : i32
    %dma_start3A_63 = arith.constant 5 : i32
    %dma_start3A_64 = arith.constant 0 : i32
    %dma_start3A_65 = arith.constant 0 : i32
    %dma_start3A_66 = tpu.memref_slice %arg6[%dma_start3A_63, %dma_start3A_64, %dma_start3A_65] : memref<8x50x32xf32, #tpu.memory_space<vmem>> -> memref<1x50x32xf32, #tpu.memory_space<vmem>>
    %dma_start3A_67 = tpu.memref_squeeze %dma_start3A_66 : memref<1x50x32xf32, #tpu.memory_space<vmem>> -> memref<50x32xf32, #tpu.memory_space<vmem>>
    %dma_start3A_68 = arith.constant 0 : i32
    %dma_start3A_69 = tpu.memref_slice %arg5[%dma_start3A_62, %dma_start3A_68] : memref<512x50xi32, #tpu.memory_space<vmem>> -> memref<1x50xi32, #tpu.memory_space<vmem>>
    %dma_start3A_70 = tpu.memref_squeeze %dma_start3A_69 : memref<1x50xi32, #tpu.memory_space<vmem>> -> memref<50xi32, #tpu.memory_space<vmem>>
    %dma_start3A_71 = arith.constant 0 : i32
    %dma_start3A_72 = arith.constant 0 : i32
    %dma_start3A_73 = tpu.memref_slice %arg3[%dma_start3A_71, %dma_start3A_72] : memref<1000000x32xf32, #tpu.memory_space<hbm>> -> memref<1000000x32xf32, #tpu.memory_space<hbm>>
    tpu.enqueue_indirect_dma source(%dma_start3A_73 : memref<1000000x32xf32, #tpu.memory_space<hbm>>) target(%dma_start3A_67 : memref<50x32xf32, #tpu.memory_space<vmem>>) offsets(%dma_start3A_70 : memref<50xi32, #tpu.memory_space<vmem>>) semaphore(%arg8 : memref<!tpu.dma_semaphore, #tpu.memory_space<semaphore_mem>>)
    %dma_start3A_74 = arith.constant 6 : i32
    %dma_start3A_75 = arith.constant 6 : i32
    %dma_start3A_76 = arith.constant 0 : i32
    %dma_start3A_77 = arith.constant 0 : i32
    %dma_start3A_78 = tpu.memref_slice %arg6[%dma_start3A_75, %dma_start3A_76, %dma_start3A_77] : memref<8x50x32xf32, #tpu.memory_space<vmem>> -> memref<1x50x32xf32, #tpu.memory_space<vmem>>
    %dma_start3A_79 = tpu.memref_squeeze %dma_start3A_78 : memref<1x50x32xf32, #tpu.memory_space<vmem>> -> memref<50x32xf32, #tpu.memory_space<vmem>>
    %dma_start3A_80 = arith.constant 0 : i32
    %dma_start3A_81 = tpu.memref_slice %arg5[%dma_start3A_74, %dma_start3A_80] : memref<512x50xi32, #tpu.memory_space<vmem>> -> memref<1x50xi32, #tpu.memory_space<vmem>>
    %dma_start3A_82 = tpu.memref_squeeze %dma_start3A_81 : memref<1x50xi32, #tpu.memory_space<vmem>> -> memref<50xi32, #tpu.memory_space<vmem>>
    %dma_start3A_83 = arith.constant 0 : i32
    %dma_start3A_84 = arith.constant 0 : i32
    %dma_start3A_85 = tpu.memref_slice %arg3[%dma_start3A_83, %dma_start3A_84] : memref<1000000x32xf32, #tpu.memory_space<hbm>> -> memref<1000000x32xf32, #tpu.memory_space<hbm>>
    tpu.enqueue_indirect_dma source(%dma_start3A_85 : memref<1000000x32xf32, #tpu.memory_space<hbm>>) target(%dma_start3A_79 : memref<50x32xf32, #tpu.memory_space<vmem>>) offsets(%dma_start3A_82 : memref<50xi32, #tpu.memory_space<vmem>>) semaphore(%arg8 : memref<!tpu.dma_semaphore, #tpu.memory_space<semaphore_mem>>)
    %dma_start3A_86 = arith.constant 7 : i32
    %dma_start3A_87 = arith.constant 7 : i32
    %dma_start3A_88 = arith.constant 0 : i32
    %dma_start3A_89 = arith.constant 0 : i32
    %dma_start3A_90 = tpu.memref_slice %arg6[%dma_start3A_87, %dma_start3A_88, %dma_start3A_89] : memref<8x50x32xf32, #tpu.memory_space<vmem>> -> memref<1x50x32xf32, #tpu.memory_space<vmem>>
    %dma_start3A_91 = tpu.memref_squeeze %dma_start3A_90 : memref<1x50x32xf32, #tpu.memory_space<vmem>> -> memref<50x32xf32, #tpu.memory_space<vmem>>
    %dma_start3A_92 = arith.constant 0 : i32
    %dma_start3A_93 = tpu.memref_slice %arg5[%dma_start3A_86, %dma_start3A_92] : memref<512x50xi32, #tpu.memory_space<vmem>> -> memref<1x50xi32, #tpu.memory_space<vmem>>
    %dma_start3A_94 = tpu.memref_squeeze %dma_start3A_93 : memref<1x50xi32, #tpu.memory_space<vmem>> -> memref<50xi32, #tpu.memory_space<vmem>>
    %dma_start3A_95 = arith.constant 0 : i32
    %dma_start3A_96 = arith.constant 0 : i32
    %dma_start3A_97 = tpu.memref_slice %arg3[%dma_start3A_95, %dma_start3A_96] : memref<1000000x32xf32, #tpu.memory_space<hbm>> -> memref<1000000x32xf32, #tpu.memory_space<hbm>>
    tpu.enqueue_indirect_dma source(%dma_start3A_97 : memref<1000000x32xf32, #tpu.memory_space<hbm>>) target(%dma_start3A_91 : memref<50x32xf32, #tpu.memory_space<vmem>>) offsets(%dma_start3A_94 : memref<50xi32, #tpu.memory_space<vmem>>) semaphore(%arg8 : memref<!tpu.dma_semaphore, #tpu.memory_space<semaphore_mem>>)
    %dma_start3A_98 = arith.constant 8 : i32
    %dma_start3A_99 = arith.constant 0 : i32
    %dma_start3A_100 = arith.constant 0 : i32
    %dma_start3A_101 = arith.constant 0 : i32
    %dma_start3A_102 = tpu.memref_slice %arg7[%dma_start3A_99, %dma_start3A_100, %dma_start3A_101] : memref<8x50x32xf32, #tpu.memory_space<vmem>> -> memref<1x50x32xf32, #tpu.memory_space<vmem>>
    %dma_start3A_103 = tpu.memref_squeeze %dma_start3A_102 : memref<1x50x32xf32, #tpu.memory_space<vmem>> -> memref<50x32xf32, #tpu.memory_space<vmem>>
    %dma_start3A_104 = arith.constant 0 : i32
    %dma_start3A_105 = tpu.memref_slice %arg5[%dma_start3A_98, %dma_start3A_104] : memref<512x50xi32, #tpu.memory_space<vmem>> -> memref<1x50xi32, #tpu.memory_space<vmem>>
    %dma_start3A_106 = tpu.memref_squeeze %dma_start3A_105 : memref<1x50xi32, #tpu.memory_space<vmem>> -> memref<50xi32, #tpu.memory_space<vmem>>
    %dma_start3A_107 = arith.constant 0 : i32
    %dma_start3A_108 = arith.constant 0 : i32
    %dma_start3A_109 = tpu.memref_slice %arg3[%dma_start3A_107, %dma_start3A_108] : memref<1000000x32xf32, #tpu.memory_space<hbm>> -> memref<1000000x32xf32, #tpu.memory_space<hbm>>
    tpu.enqueue_indirect_dma source(%dma_start3A_109 : memref<1000000x32xf32, #tpu.memory_space<hbm>>) target(%dma_start3A_103 : memref<50x32xf32, #tpu.memory_space<vmem>>) offsets(%dma_start3A_106 : memref<50xi32, #tpu.memory_space<vmem>>) semaphore(%arg9 : memref<!tpu.dma_semaphore, #tpu.memory_space<semaphore_mem>>)
    %dma_start3A_110 = arith.constant 9 : i32
    %dma_start3A_111 = arith.constant 1 : i32
    %dma_start3A_112 = arith.constant 0 : i32
    %dma_start3A_113 = arith.constant 0 : i32
    %dma_start3A_114 = tpu.memref_slice %arg7[%dma_start3A_111, %dma_start3A_112, %dma_start3A_113] : memref<8x50x32xf32, #tpu.memory_space<vmem>> -> memref<1x50x32xf32, #tpu.memory_space<vmem>>
    %dma_start3A_115 = tpu.memref_squeeze %dma_start3A_114 : memref<1x50x32xf32, #tpu.memory_space<vmem>> -> memref<50x32xf32, #tpu.memory_space<vmem>>
    %dma_start3A_116 = arith.constant 0 : i32
    %dma_start3A_117 = tpu.memref_slice %arg5[%dma_start3A_110, %dma_start3A_116] : memref<512x50xi32, #tpu.memory_space<vmem>> -> memref<1x50xi32, #tpu.memory_space<vmem>>
    %dma_start3A_118 = tpu.memref_squeeze %dma_start3A_117 : memref<1x50xi32, #tpu.memory_space<vmem>> -> memref<50xi32, #tpu.memory_space<vmem>>
    %dma_start3A_119 = arith.constant 0 : i32
    %dma_start3A_120 = arith.constant 0 : i32
    %dma_start3A_121 = tpu.memref_slice %arg3[%dma_start3A_119, %dma_start3A_120] : memref<1000000x32xf32, #tpu.memory_space<hbm>> -> memref<1000000x32xf32, #tpu.memory_space<hbm>>
    tpu.enqueue_indirect_dma source(%dma_start3A_121 : memref<1000000x32xf32, #tpu.memory_space<hbm>>) target(%dma_start3A_115 : memref<50x32xf32, #tpu.memory_space<vmem>>) offsets(%dma_start3A_118 : memref<50xi32, #tpu.memory_space<vmem>>) semaphore(%arg9 : memref<!tpu.dma_semaphore, #tpu.memory_space<semaphore_mem>>)
    %dma_start3A_122 = arith.constant 10 : i32
    %dma_start3A_123 = arith.constant 2 : i32
    %dma_start3A_124 = arith.constant 0 : i32
    %dma_start3A_125 = arith.constant 0 : i32
    %dma_start3A_126 = tpu.memref_slice %arg7[%dma_start3A_123, %dma_start3A_124, %dma_start3A_125] : memref<8x50x32xf32, #tpu.memory_space<vmem>> -> memref<1x50x32xf32, #tpu.memory_space<vmem>>
    %dma_start3A_127 = tpu.memref_squeeze %dma_start3A_126 : memref<1x50x32xf32, #tpu.memory_space<vmem>> -> memref<50x32xf32, #tpu.memory_space<vmem>>
    %dma_start3A_128 = arith.constant 0 : i32
    %dma_start3A_129 = tpu.memref_slice %arg5[%dma_start3A_122, %dma_start3A_128] : memref<512x50xi32, #tpu.memory_space<vmem>> -> memref<1x50xi32, #tpu.memory_space<vmem>>
    %dma_start3A_130 = tpu.memref_squeeze %dma_start3A_129 : memref<1x50xi32, #tpu.memory_space<vmem>> -> memref<50xi32, #tpu.memory_space<vmem>>
    %dma_start3A_131 = arith.constant 0 : i32
    %dma_start3A_132 = arith.constant 0 : i32
    %dma_start3A_133 = tpu.memref_slice %arg3[%dma_start3A_131, %dma_start3A_132] : memref<1000000x32xf32, #tpu.memory_space<hbm>> -> memref<1000000x32xf32, #tpu.memory_space<hbm>>
    tpu.enqueue_indirect_dma source(%dma_start3A_133 : memref<1000000x32xf32, #tpu.memory_space<hbm>>) target(%dma_start3A_127 : memref<50x32xf32, #tpu.memory_space<vmem>>) offsets(%dma_start3A_130 : memref<50xi32, #tpu.memory_space<vmem>>) semaphore(%arg9 : memref<!tpu.dma_semaphore, #tpu.memory_space<semaphore_mem>>)
    %dma_start3A_134 = arith.constant 11 : i32
    %dma_start3A_135 = arith.constant 3 : i32
    %dma_start3A_136 = arith.constant 0 : i32
    %dma_start3A_137 = arith.constant 0 : i32
    %dma_start3A_138 = tpu.memref_slice %arg7[%dma_start3A_135, %dma_start3A_136, %dma_start3A_137] : memref<8x50x32xf32, #tpu.memory_space<vmem>> -> memref<1x50x32xf32, #tpu.memory_space<vmem>>
    %dma_start3A_139 = tpu.memref_squeeze %dma_start3A_138 : memref<1x50x32xf32, #tpu.memory_space<vmem>> -> memref<50x32xf32, #tpu.memory_space<vmem>>
    %dma_start3A_140 = arith.constant 0 : i32
    %dma_start3A_141 = tpu.memref_slice %arg5[%dma_start3A_134, %dma_start3A_140] : memref<512x50xi32, #tpu.memory_space<vmem>> -> memref<1x50xi32, #tpu.memory_space<vmem>>
    %dma_start3A_142 = tpu.memref_squeeze %dma_start3A_141 : memref<1x50xi32, #tpu.memory_space<vmem>> -> memref<50xi32, #tpu.memory_space<vmem>>
    %dma_start3A_143 = arith.constant 0 : i32
    %dma_start3A_144 = arith.constant 0 : i32
    %dma_start3A_145 = tpu.memref_slice %arg3[%dma_start3A_143, %dma_start3A_144] : memref<1000000x32xf32, #tpu.memory_space<hbm>> -> memref<1000000x32xf32, #tpu.memory_space<hbm>>
    tpu.enqueue_indirect_dma source(%dma_start3A_145 : memref<1000000x32xf32, #tpu.memory_space<hbm>>) target(%dma_start3A_139 : memref<50x32xf32, #tpu.memory_space<vmem>>) offsets(%dma_start3A_142 : memref<50xi32, #tpu.memory_space<vmem>>) semaphore(%arg9 : memref<!tpu.dma_semaphore, #tpu.memory_space<semaphore_mem>>)
    %dma_start3A_146 = arith.constant 12 : i32
    %dma_start3A_147 = arith.constant 4 : i32
    %dma_start3A_148 = arith.constant 0 : i32
    %dma_start3A_149 = arith.constant 0 : i32
    %dma_start3A_150 = tpu.memref_slice %arg7[%dma_start3A_147, %dma_start3A_148, %dma_start3A_149] : memref<8x50x32xf32, #tpu.memory_space<vmem>> -> memref<1x50x32xf32, #tpu.memory_space<vmem>>
    %dma_start3A_151 = tpu.memref_squeeze %dma_start3A_150 : memref<1x50x32xf32, #tpu.memory_space<vmem>> -> memref<50x32xf32, #tpu.memory_space<vmem>>
    %dma_start3A_152 = arith.constant 0 : i32
    %dma_start3A_153 = tpu.memref_slice %arg5[%dma_start3A_146, %dma_start3A_152] : memref<512x50xi32, #tpu.memory_space<vmem>> -> memref<1x50xi32, #tpu.memory_space<vmem>>
    %dma_start3A_154 = tpu.memref_squeeze %dma_start3A_153 : memref<1x50xi32, #tpu.memory_space<vmem>> -> memref<50xi32, #tpu.memory_space<vmem>>
    %dma_start3A_155 = arith.constant 0 : i32
    %dma_start3A_156 = arith.constant 0 : i32
    %dma_start3A_157 = tpu.memref_slice %arg3[%dma_start3A_155, %dma_start3A_156] : memref<1000000x32xf32, #tpu.memory_space<hbm>> -> memref<1000000x32xf32, #tpu.memory_space<hbm>>
    tpu.enqueue_indirect_dma source(%dma_start3A_157 : memref<1000000x32xf32, #tpu.memory_space<hbm>>) target(%dma_start3A_151 : memref<50x32xf32, #tpu.memory_space<vmem>>) offsets(%dma_start3A_154 : memref<50xi32, #tpu.memory_space<vmem>>) semaphore(%arg9 : memref<!tpu.dma_semaphore, #tpu.memory_space<semaphore_mem>>)
    %dma_start3A_158 = arith.constant 13 : i32
    %dma_start3A_159 = arith.constant 5 : i32
    %dma_start3A_160 = arith.constant 0 : i32
    %dma_start3A_161 = arith.constant 0 : i32
    %dma_start3A_162 = tpu.memref_slice %arg7[%dma_start3A_159, %dma_start3A_160, %dma_start3A_161] : memref<8x50x32xf32, #tpu.memory_space<vmem>> -> memref<1x50x32xf32, #tpu.memory_space<vmem>>
    %dma_start3A_163 = tpu.memref_squeeze %dma_start3A_162 : memref<1x50x32xf32, #tpu.memory_space<vmem>> -> memref<50x32xf32, #tpu.memory_space<vmem>>
    %dma_start3A_164 = arith.constant 0 : i32
    %dma_start3A_165 = tpu.memref_slice %arg5[%dma_start3A_158, %dma_start3A_164] : memref<512x50xi32, #tpu.memory_space<vmem>> -> memref<1x50xi32, #tpu.memory_space<vmem>>
    %dma_start3A_166 = tpu.memref_squeeze %dma_start3A_165 : memref<1x50xi32, #tpu.memory_space<vmem>> -> memref<50xi32, #tpu.memory_space<vmem>>
    %dma_start3A_167 = arith.constant 0 : i32
    %dma_start3A_168 = arith.constant 0 : i32
    %dma_start3A_169 = tpu.memref_slice %arg3[%dma_start3A_167, %dma_start3A_168] : memref<1000000x32xf32, #tpu.memory_space<hbm>> -> memref<1000000x32xf32, #tpu.memory_space<hbm>>
    tpu.enqueue_indirect_dma source(%dma_start3A_169 : memref<1000000x32xf32, #tpu.memory_space<hbm>>) target(%dma_start3A_163 : memref<50x32xf32, #tpu.memory_space<vmem>>) offsets(%dma_start3A_166 : memref<50xi32, #tpu.memory_space<vmem>>) semaphore(%arg9 : memref<!tpu.dma_semaphore, #tpu.memory_space<semaphore_mem>>)
    %dma_start3A_170 = arith.constant 14 : i32
    %dma_start3A_171 = arith.constant 6 : i32
    %dma_start3A_172 = arith.constant 0 : i32
    %dma_start3A_173 = arith.constant 0 : i32
    %dma_start3A_174 = tpu.memref_slice %arg7[%dma_start3A_171, %dma_start3A_172, %dma_start3A_173] : memref<8x50x32xf32, #tpu.memory_space<vmem>> -> memref<1x50x32xf32, #tpu.memory_space<vmem>>
    %dma_start3A_175 = tpu.memref_squeeze %dma_start3A_174 : memref<1x50x32xf32, #tpu.memory_space<vmem>> -> memref<50x32xf32, #tpu.memory_space<vmem>>
    %dma_start3A_176 = arith.constant 0 : i32
    %dma_start3A_177 = tpu.memref_slice %arg5[%dma_start3A_170, %dma_start3A_176] : memref<512x50xi32, #tpu.memory_space<vmem>> -> memref<1x50xi32, #tpu.memory_space<vmem>>
    %dma_start3A_178 = tpu.memref_squeeze %dma_start3A_177 : memref<1x50xi32, #tpu.memory_space<vmem>> -> memref<50xi32, #tpu.memory_space<vmem>>
    %dma_start3A_179 = arith.constant 0 : i32
    %dma_start3A_180 = arith.constant 0 : i32
    %dma_start3A_181 = tpu.memref_slice %arg3[%dma_start3A_179, %dma_start3A_180] : memref<1000000x32xf32, #tpu.memory_space<hbm>> -> memref<1000000x32xf32, #tpu.memory_space<hbm>>
    tpu.enqueue_indirect_dma source(%dma_start3A_181 : memref<1000000x32xf32, #tpu.memory_space<hbm>>) target(%dma_start3A_175 : memref<50x32xf32, #tpu.memory_space<vmem>>) offsets(%dma_start3A_178 : memref<50xi32, #tpu.memory_space<vmem>>) semaphore(%arg9 : memref<!tpu.dma_semaphore, #tpu.memory_space<semaphore_mem>>)
    %dma_start3A_182 = arith.constant 15 : i32
    %dma_start3A_183 = arith.constant 7 : i32
    %dma_start3A_184 = arith.constant 0 : i32
    %dma_start3A_185 = arith.constant 0 : i32
    %dma_start3A_186 = tpu.memref_slice %arg7[%dma_start3A_183, %dma_start3A_184, %dma_start3A_185] : memref<8x50x32xf32, #tpu.memory_space<vmem>> -> memref<1x50x32xf32, #tpu.memory_space<vmem>>
    %dma_start3A_187 = tpu.memref_squeeze %dma_start3A_186 : memref<1x50x32xf32, #tpu.memory_space<vmem>> -> memref<50x32xf32, #tpu.memory_space<vmem>>
    %dma_start3A_188 = arith.constant 0 : i32
    %dma_start3A_189 = tpu.memref_slice %arg5[%dma_start3A_182, %dma_start3A_188] : memref<512x50xi32, #tpu.memory_space<vmem>> -> memref<1x50xi32, #tpu.memory_space<vmem>>
    %dma_start3A_190 = tpu.memref_squeeze %dma_start3A_189 : memref<1x50xi32, #tpu.memory_space<vmem>> -> memref<50xi32, #tpu.memory_space<vmem>>
    %dma_start3A_191 = arith.constant 0 : i32
    %dma_start3A_192 = arith.constant 0 : i32
    %dma_start3A_193 = tpu.memref_slice %arg3[%dma_start3A_191, %dma_start3A_192] : memref<1000000x32xf32, #tpu.memory_space<hbm>> -> memref<1000000x32xf32, #tpu.memory_space<hbm>>
    tpu.enqueue_indirect_dma source(%dma_start3A_193 : memref<1000000x32xf32, #tpu.memory_space<hbm>>) target(%dma_start3A_187 : memref<50x32xf32, #tpu.memory_space<vmem>>) offsets(%dma_start3A_190 : memref<50xi32, #tpu.memory_space<vmem>>) semaphore(%arg9 : memref<!tpu.dma_semaphore, #tpu.memory_space<semaphore_mem>>)
    %dma_wait3A = arith.constant 0 : i32
    %dma_wait3A_194 = arith.constant 0 : i32
    %dma_wait3A_195 = arith.constant 0 : i32
    %dma_wait3A_196 = arith.constant 0 : i32
    %dma_wait3A_197 = tpu.memref_slice %arg6[%dma_wait3A_194, %dma_wait3A_195, %dma_wait3A_196] : memref<8x50x32xf32, #tpu.memory_space<vmem>> -> memref<1x50x32xf32, #tpu.memory_space<vmem>>
    %dma_wait3A_198 = tpu.memref_squeeze %dma_wait3A_197 : memref<1x50x32xf32, #tpu.memory_space<vmem>> -> memref<50x32xf32, #tpu.memory_space<vmem>>
    %dma_wait3A_199 = arith.constant 0 : i32
    %dma_wait3A_200 = tpu.memref_slice %arg5[%dma_wait3A, %dma_wait3A_199] : memref<512x50xi32, #tpu.memory_space<vmem>> -> memref<1x50xi32, #tpu.memory_space<vmem>>
    %dma_wait3A_201 = tpu.memref_squeeze %dma_wait3A_200 : memref<1x50xi32, #tpu.memory_space<vmem>> -> memref<50xi32, #tpu.memory_space<vmem>>
    %dma_wait3A_202 = arith.constant 0 : i32
    %dma_wait3A_203 = arith.constant 0 : i32
    %dma_wait3A_204 = tpu.memref_slice %arg3[%dma_wait3A_202, %dma_wait3A_203] : memref<1000000x32xf32, #tpu.memory_space<hbm>> -> memref<1000000x32xf32, #tpu.memory_space<hbm>>
    tpu.wait_indirect_dma semaphore(%arg8 : memref<!tpu.dma_semaphore, #tpu.memory_space<semaphore_mem>>) src(%dma_wait3A_204 : memref<1000000x32xf32, #tpu.memory_space<hbm>>) dst(%dma_wait3A_198 : memref<50x32xf32, #tpu.memory_space<vmem>>)
    %dma_wait3A_205 = arith.constant 1 : i32
    %dma_wait3A_206 = arith.constant 1 : i32
    %dma_wait3A_207 = arith.constant 0 : i32
    %dma_wait3A_208 = arith.constant 0 : i32
    %dma_wait3A_209 = tpu.memref_slice %arg6[%dma_wait3A_206, %dma_wait3A_207, %dma_wait3A_208] : memref<8x50x32xf32, #tpu.memory_space<vmem>> -> memref<1x50x32xf32, #tpu.memory_space<vmem>>
    %dma_wait3A_210 = tpu.memref_squeeze %dma_wait3A_209 : memref<1x50x32xf32, #tpu.memory_space<vmem>> -> memref<50x32xf32, #tpu.memory_space<vmem>>
    %dma_wait3A_211 = arith.constant 0 : i32
    %dma_wait3A_212 = tpu.memref_slice %arg5[%dma_wait3A_205, %dma_wait3A_211] : memref<512x50xi32, #tpu.memory_space<vmem>> -> memref<1x50xi32, #tpu.memory_space<vmem>>
    %dma_wait3A_213 = tpu.memref_squeeze %dma_wait3A_212 : memref<1x50xi32, #tpu.memory_space<vmem>> -> memref<50xi32, #tpu.memory_space<vmem>>
    %dma_wait3A_214 = arith.constant 0 : i32
    %dma_wait3A_215 = arith.constant 0 : i32
    %dma_wait3A_216 = tpu.memref_slice %arg3[%dma_wait3A_214, %dma_wait3A_215] : memref<1000000x32xf32, #tpu.memory_space<hbm>> -> memref<1000000x32xf32, #tpu.memory_space<hbm>>
    tpu.wait_indirect_dma semaphore(%arg8 : memref<!tpu.dma_semaphore, #tpu.memory_space<semaphore_mem>>) src(%dma_wait3A_216 : memref<1000000x32xf32, #tpu.memory_space<hbm>>) dst(%dma_wait3A_210 : memref<50x32xf32, #tpu.memory_space<vmem>>)
    %dma_wait3A_217 = arith.constant 2 : i32
    %dma_wait3A_218 = arith.constant 2 : i32
    %dma_wait3A_219 = arith.constant 0 : i32
    %dma_wait3A_220 = arith.constant 0 : i32
    %dma_wait3A_221 = tpu.memref_slice %arg6[%dma_wait3A_218, %dma_wait3A_219, %dma_wait3A_220] : memref<8x50x32xf32, #tpu.memory_space<vmem>> -> memref<1x50x32xf32, #tpu.memory_space<vmem>>
    %dma_wait3A_222 = tpu.memref_squeeze %dma_wait3A_221 : memref<1x50x32xf32, #tpu.memory_space<vmem>> -> memref<50x32xf32, #tpu.memory_space<vmem>>
    %dma_wait3A_223 = arith.constant 0 : i32
    %dma_wait3A_224 = tpu.memref_slice %arg5[%dma_wait3A_217, %dma_wait3A_223] : memref<512x50xi32, #tpu.memory_space<vmem>> -> memref<1x50xi32, #tpu.memory_space<vmem>>
    %dma_wait3A_225 = tpu.memref_squeeze %dma_wait3A_224 : memref<1x50xi32, #tpu.memory_space<vmem>> -> memref<50xi32, #tpu.memory_space<vmem>>
    %dma_wait3A_226 = arith.constant 0 : i32
    %dma_wait3A_227 = arith.constant 0 : i32
    %dma_wait3A_228 = tpu.memref_slice %arg3[%dma_wait3A_226, %dma_wait3A_227] : memref<1000000x32xf32, #tpu.memory_space<hbm>> -> memref<1000000x32xf32, #tpu.memory_space<hbm>>
    tpu.wait_indirect_dma semaphore(%arg8 : memref<!tpu.dma_semaphore, #tpu.memory_space<semaphore_mem>>) src(%dma_wait3A_228 : memref<1000000x32xf32, #tpu.memory_space<hbm>>) dst(%dma_wait3A_222 : memref<50x32xf32, #tpu.memory_space<vmem>>)
    %dma_wait3A_229 = arith.constant 3 : i32
    %dma_wait3A_230 = arith.constant 3 : i32
    %dma_wait3A_231 = arith.constant 0 : i32
    %dma_wait3A_232 = arith.constant 0 : i32
    %dma_wait3A_233 = tpu.memref_slice %arg6[%dma_wait3A_230, %dma_wait3A_231, %dma_wait3A_232] : memref<8x50x32xf32, #tpu.memory_space<vmem>> -> memref<1x50x32xf32, #tpu.memory_space<vmem>>
    %dma_wait3A_234 = tpu.memref_squeeze %dma_wait3A_233 : memref<1x50x32xf32, #tpu.memory_space<vmem>> -> memref<50x32xf32, #tpu.memory_space<vmem>>
    %dma_wait3A_235 = arith.constant 0 : i32
    %dma_wait3A_236 = tpu.memref_slice %arg5[%dma_wait3A_229, %dma_wait3A_235] : memref<512x50xi32, #tpu.memory_space<vmem>> -> memref<1x50xi32, #tpu.memory_space<vmem>>
    %dma_wait3A_237 = tpu.memref_squeeze %dma_wait3A_236 : memref<1x50xi32, #tpu.memory_space<vmem>> -> memref<50xi32, #tpu.memory_space<vmem>>
    %dma_wait3A_238 = arith.constant 0 : i32
    %dma_wait3A_239 = arith.constant 0 : i32
    %dma_wait3A_240 = tpu.memref_slice %arg3[%dma_wait3A_238, %dma_wait3A_239] : memref<1000000x32xf32, #tpu.memory_space<hbm>> -> memref<1000000x32xf32, #tpu.memory_space<hbm>>
    tpu.wait_indirect_dma semaphore(%arg8 : memref<!tpu.dma_semaphore, #tpu.memory_space<semaphore_mem>>) src(%dma_wait3A_240 : memref<1000000x32xf32, #tpu.memory_space<hbm>>) dst(%dma_wait3A_234 : memref<50x32xf32, #tpu.memory_space<vmem>>)
    %dma_wait3A_241 = arith.constant 4 : i32
    %dma_wait3A_242 = arith.constant 4 : i32
    %dma_wait3A_243 = arith.constant 0 : i32
    %dma_wait3A_244 = arith.constant 0 : i32
    %dma_wait3A_245 = tpu.memref_slice %arg6[%dma_wait3A_242, %dma_wait3A_243, %dma_wait3A_244] : memref<8x50x32xf32, #tpu.memory_space<vmem>> -> memref<1x50x32xf32, #tpu.memory_space<vmem>>
    %dma_wait3A_246 = tpu.memref_squeeze %dma_wait3A_245 : memref<1x50x32xf32, #tpu.memory_space<vmem>> -> memref<50x32xf32, #tpu.memory_space<vmem>>
    %dma_wait3A_247 = arith.constant 0 : i32
    %dma_wait3A_248 = tpu.memref_slice %arg5[%dma_wait3A_241, %dma_wait3A_247] : memref<512x50xi32, #tpu.memory_space<vmem>> -> memref<1x50xi32, #tpu.memory_space<vmem>>
    %dma_wait3A_249 = tpu.memref_squeeze %dma_wait3A_248 : memref<1x50xi32, #tpu.memory_space<vmem>> -> memref<50xi32, #tpu.memory_space<vmem>>
    %dma_wait3A_250 = arith.constant 0 : i32
    %dma_wait3A_251 = arith.constant 0 : i32
    %dma_wait3A_252 = tpu.memref_slice %arg3[%dma_wait3A_250, %dma_wait3A_251] : memref<1000000x32xf32, #tpu.memory_space<hbm>> -> memref<1000000x32xf32, #tpu.memory_space<hbm>>
    tpu.wait_indirect_dma semaphore(%arg8 : memref<!tpu.dma_semaphore, #tpu.memory_space<semaphore_mem>>) src(%dma_wait3A_252 : memref<1000000x32xf32, #tpu.memory_space<hbm>>) dst(%dma_wait3A_246 : memref<50x32xf32, #tpu.memory_space<vmem>>)
    %dma_wait3A_253 = arith.constant 5 : i32
    %dma_wait3A_254 = arith.constant 5 : i32
    %dma_wait3A_255 = arith.constant 0 : i32
    %dma_wait3A_256 = arith.constant 0 : i32
    %dma_wait3A_257 = tpu.memref_slice %arg6[%dma_wait3A_254, %dma_wait3A_255, %dma_wait3A_256] : memref<8x50x32xf32, #tpu.memory_space<vmem>> -> memref<1x50x32xf32, #tpu.memory_space<vmem>>
    %dma_wait3A_258 = tpu.memref_squeeze %dma_wait3A_257 : memref<1x50x32xf32, #tpu.memory_space<vmem>> -> memref<50x32xf32, #tpu.memory_space<vmem>>
    %dma_wait3A_259 = arith.constant 0 : i32
    %dma_wait3A_260 = tpu.memref_slice %arg5[%dma_wait3A_253, %dma_wait3A_259] : memref<512x50xi32, #tpu.memory_space<vmem>> -> memref<1x50xi32, #tpu.memory_space<vmem>>
    %dma_wait3A_261 = tpu.memref_squeeze %dma_wait3A_260 : memref<1x50xi32, #tpu.memory_space<vmem>> -> memref<50xi32, #tpu.memory_space<vmem>>
    %dma_wait3A_262 = arith.constant 0 : i32
    %dma_wait3A_263 = arith.constant 0 : i32
    %dma_wait3A_264 = tpu.memref_slice %arg3[%dma_wait3A_262, %dma_wait3A_263] : memref<1000000x32xf32, #tpu.memory_space<hbm>> -> memref<1000000x32xf32, #tpu.memory_space<hbm>>
    tpu.wait_indirect_dma semaphore(%arg8 : memref<!tpu.dma_semaphore, #tpu.memory_space<semaphore_mem>>) src(%dma_wait3A_264 : memref<1000000x32xf32, #tpu.memory_space<hbm>>) dst(%dma_wait3A_258 : memref<50x32xf32, #tpu.memory_space<vmem>>)
    %dma_wait3A_265 = arith.constant 6 : i32
    %dma_wait3A_266 = arith.constant 6 : i32
    %dma_wait3A_267 = arith.constant 0 : i32
    %dma_wait3A_268 = arith.constant 0 : i32
    %dma_wait3A_269 = tpu.memref_slice %arg6[%dma_wait3A_266, %dma_wait3A_267, %dma_wait3A_268] : memref<8x50x32xf32, #tpu.memory_space<vmem>> -> memref<1x50x32xf32, #tpu.memory_space<vmem>>
    %dma_wait3A_270 = tpu.memref_squeeze %dma_wait3A_269 : memref<1x50x32xf32, #tpu.memory_space<vmem>> -> memref<50x32xf32, #tpu.memory_space<vmem>>
    %dma_wait3A_271 = arith.constant 0 : i32
    %dma_wait3A_272 = tpu.memref_slice %arg5[%dma_wait3A_265, %dma_wait3A_271] : memref<512x50xi32, #tpu.memory_space<vmem>> -> memref<1x50xi32, #tpu.memory_space<vmem>>
    %dma_wait3A_273 = tpu.memref_squeeze %dma_wait3A_272 : memref<1x50xi32, #tpu.memory_space<vmem>> -> memref<50xi32, #tpu.memory_space<vmem>>
    %dma_wait3A_274 = arith.constant 0 : i32
    %dma_wait3A_275 = arith.constant 0 : i32
    %dma_wait3A_276 = tpu.memref_slice %arg3[%dma_wait3A_274, %dma_wait3A_275] : memref<1000000x32xf32, #tpu.memory_space<hbm>> -> memref<1000000x32xf32, #tpu.memory_space<hbm>>
    tpu.wait_indirect_dma semaphore(%arg8 : memref<!tpu.dma_semaphore, #tpu.memory_space<semaphore_mem>>) src(%dma_wait3A_276 : memref<1000000x32xf32, #tpu.memory_space<hbm>>) dst(%dma_wait3A_270 : memref<50x32xf32, #tpu.memory_space<vmem>>)
    %dma_wait3A_277 = arith.constant 7 : i32
    %dma_wait3A_278 = arith.constant 7 : i32
    %dma_wait3A_279 = arith.constant 0 : i32
    %dma_wait3A_280 = arith.constant 0 : i32
    %dma_wait3A_281 = tpu.memref_slice %arg6[%dma_wait3A_278, %dma_wait3A_279, %dma_wait3A_280] : memref<8x50x32xf32, #tpu.memory_space<vmem>> -> memref<1x50x32xf32, #tpu.memory_space<vmem>>
    %dma_wait3A_282 = tpu.memref_squeeze %dma_wait3A_281 : memref<1x50x32xf32, #tpu.memory_space<vmem>> -> memref<50x32xf32, #tpu.memory_space<vmem>>
    %dma_wait3A_283 = arith.constant 0 : i32
    %dma_wait3A_284 = tpu.memref_slice %arg5[%dma_wait3A_277, %dma_wait3A_283] : memref<512x50xi32, #tpu.memory_space<vmem>> -> memref<1x50xi32, #tpu.memory_space<vmem>>
    %dma_wait3A_285 = tpu.memref_squeeze %dma_wait3A_284 : memref<1x50xi32, #tpu.memory_space<vmem>> -> memref<50xi32, #tpu.memory_space<vmem>>
    %dma_wait3A_286 = arith.constant 0 : i32
    %dma_wait3A_287 = arith.constant 0 : i32
    %dma_wait3A_288 = tpu.memref_slice %arg3[%dma_wait3A_286, %dma_wait3A_287] : memref<1000000x32xf32, #tpu.memory_space<hbm>> -> memref<1000000x32xf32, #tpu.memory_space<hbm>>
    tpu.wait_indirect_dma semaphore(%arg8 : memref<!tpu.dma_semaphore, #tpu.memory_space<semaphore_mem>>) src(%dma_wait3A_288 : memref<1000000x32xf32, #tpu.memory_space<hbm>>) dst(%dma_wait3A_282 : memref<50x32xf32, #tpu.memory_space<vmem>>)
    %add3A_289 = arith.constant 0 : i32
    %add3A_290 = arith.addi %mul3A_2, %add3A_289 : i32
    "tpu.region"() ({
      %run_scoped3A = tpu.sem_alloc : memref<!tpu.dma_semaphore, #tpu.memory_space<semaphore_mem>>
      %dma_start3A_394 = arith.constant 0 : i32
      %dma_start3A_395 = arith.constant 0 : i32
      %dma_start3A_396 = tpu.memref_slice %arg4[%add3A_290, %dma_start3A_394, %dma_start3A_395] : memref<16384x50x32xf32, #tpu.memory_space<hbm>> -> memref<8x50x32xf32, #tpu.memory_space<hbm>>
      %dma_start3A_397 = arith.constant 0 : i32
      %dma_start3A_398 = arith.constant 0 : i32
      %dma_start3A_399 = tpu.memref_slice %arg4[%add3A_290, %dma_start3A_397, %dma_start3A_398] : memref<16384x50x32xf32, #tpu.memory_space<hbm>> -> memref<8x50x32xf32, #tpu.memory_space<hbm>>
      tpu.enqueue_dma source(%arg6 : memref<8x50x32xf32, #tpu.memory_space<vmem>>) target(%dma_start3A_399 : memref<8x50x32xf32, #tpu.memory_space<hbm>>) target_semaphore(%run_scoped3A : memref<!tpu.dma_semaphore, #tpu.memory_space<semaphore_mem>>)
      %dma_wait3A_400 = arith.constant 0 : i32
      %dma_wait3A_401 = arith.constant 0 : i32
      %dma_wait3A_402 = tpu.memref_slice %arg4[%add3A_290, %dma_wait3A_400, %dma_wait3A_401] : memref<16384x50x32xf32, #tpu.memory_space<hbm>> -> memref<8x50x32xf32, #tpu.memory_space<hbm>>
      %dma_wait3A_403 = arith.constant 0 : i32
      %dma_wait3A_404 = arith.constant 0 : i32
      %dma_wait3A_405 = tpu.memref_slice %arg4[%add3A_290, %dma_wait3A_403, %dma_wait3A_404] : memref<16384x50x32xf32, #tpu.memory_space<hbm>> -> memref<8x50x32xf32, #tpu.memory_space<hbm>>
      tpu.wait_dma2 semaphore(%run_scoped3A : memref<!tpu.dma_semaphore, #tpu.memory_space<semaphore_mem>>) src(%arg6 : memref<8x50x32xf32, #tpu.memory_space<vmem>>) dst(%dma_wait3A_405 : memref<8x50x32xf32, #tpu.memory_space<hbm>>)
      tpu.yield
    }) : () -> ()
    %scan3A = arith.constant 0 : i32
    %scan3A_291 = arith.constant 0 : i32
    %scan3A_292 = arith.constant 31 : i32
    %scan3A_293 = arith.addi %scan3A_291, %scan3A_292 : i32
    %scan3A_294 = arith.constant 1 : i32
    scf.for %scan3A_394 = %scan3A_291 to %scan3A_293 step %scan3A_294  : i32 {
      %mul3A_395 = arith.constant 2 : i32
      %mul3A_396 = arith.muli %mul3A_395, %scan3A_394 : i32
      %add3A_397 = arith.constant 1 : i32
      %add3A_398 = arith.addi %mul3A_396, %add3A_397 : i32
      %add3A_399 = arith.constant 1 : i32
      %add3A_400 = arith.addi %add3A_398, %add3A_399 : i32
      %mul3A_401 = arith.constant 8 : i32
      %mul3A_402 = arith.muli %add3A_400, %mul3A_401 : i32
      %add3A_403 = arith.constant 0 : i32
      %add3A_404 = arith.addi %mul3A_402, %add3A_403 : i32
      %dma_start3A_405 = arith.constant 0 : i32
      %dma_start3A_406 = arith.constant 0 : i32
      %dma_start3A_407 = arith.constant 0 : i32
      %dma_start3A_408 = tpu.memref_slice %arg6[%dma_start3A_405, %dma_start3A_406, %dma_start3A_407] : memref<8x50x32xf32, #tpu.memory_space<vmem>> -> memref<1x50x32xf32, #tpu.memory_space<vmem>>
      %dma_start3A_409 = tpu.memref_squeeze %dma_start3A_408 : memref<1x50x32xf32, #tpu.memory_space<vmem>> -> memref<50x32xf32, #tpu.memory_space<vmem>>
      %dma_start3A_410 = arith.constant 0 : i32
      %dma_start3A_411 = tpu.memref_slice %arg5[%add3A_404, %dma_start3A_410] : memref<512x50xi32, #tpu.memory_space<vmem>> -> memref<1x50xi32, #tpu.memory_space<vmem>>
      %dma_start3A_412 = tpu.memref_squeeze %dma_start3A_411 : memref<1x50xi32, #tpu.memory_space<vmem>> -> memref<50xi32, #tpu.memory_space<vmem>>
      %dma_start3A_413 = arith.constant 0 : i32
      %dma_start3A_414 = arith.constant 0 : i32
      %dma_start3A_415 = tpu.memref_slice %arg3[%dma_start3A_413, %dma_start3A_414] : memref<1000000x32xf32, #tpu.memory_space<hbm>> -> memref<1000000x32xf32, #tpu.memory_space<hbm>>
      tpu.enqueue_indirect_dma source(%dma_start3A_415 : memref<1000000x32xf32, #tpu.memory_space<hbm>>) target(%dma_start3A_409 : memref<50x32xf32, #tpu.memory_space<vmem>>) offsets(%dma_start3A_412 : memref<50xi32, #tpu.memory_space<vmem>>) semaphore(%arg8 : memref<!tpu.dma_semaphore, #tpu.memory_space<semaphore_mem>>)
      %mul3A_416 = arith.constant 8 : i32
      %mul3A_417 = arith.muli %add3A_400, %mul3A_416 : i32
      %add3A_418 = arith.constant 1 : i32
      %add3A_419 = arith.addi %mul3A_417, %add3A_418 : i32
      %dma_start3A_420 = arith.constant 1 : i32
      %dma_start3A_421 = arith.constant 0 : i32
      %dma_start3A_422 = arith.constant 0 : i32
      %dma_start3A_423 = tpu.memref_slice %arg6[%dma_start3A_420, %dma_start3A_421, %dma_start3A_422] : memref<8x50x32xf32, #tpu.memory_space<vmem>> -> memref<1x50x32xf32, #tpu.memory_space<vmem>>
      %dma_start3A_424 = tpu.memref_squeeze %dma_start3A_423 : memref<1x50x32xf32, #tpu.memory_space<vmem>> -> memref<50x32xf32, #tpu.memory_space<vmem>>
      %dma_start3A_425 = arith.constant 0 : i32
      %dma_start3A_426 = tpu.memref_slice %arg5[%add3A_419, %dma_start3A_425] : memref<512x50xi32, #tpu.memory_space<vmem>> -> memref<1x50xi32, #tpu.memory_space<vmem>>
      %dma_start3A_427 = tpu.memref_squeeze %dma_start3A_426 : memref<1x50xi32, #tpu.memory_space<vmem>> -> memref<50xi32, #tpu.memory_space<vmem>>
      %dma_start3A_428 = arith.constant 0 : i32
      %dma_start3A_429 = arith.constant 0 : i32
      %dma_start3A_430 = tpu.memref_slice %arg3[%dma_start3A_428, %dma_start3A_429] : memref<1000000x32xf32, #tpu.memory_space<hbm>> -> memref<1000000x32xf32, #tpu.memory_space<hbm>>
      tpu.enqueue_indirect_dma source(%dma_start3A_430 : memref<1000000x32xf32, #tpu.memory_space<hbm>>) target(%dma_start3A_424 : memref<50x32xf32, #tpu.memory_space<vmem>>) offsets(%dma_start3A_427 : memref<50xi32, #tpu.memory_space<vmem>>) semaphore(%arg8 : memref<!tpu.dma_semaphore, #tpu.memory_space<semaphore_mem>>)
      %mul3A_431 = arith.constant 8 : i32
      %mul3A_432 = arith.muli %add3A_400, %mul3A_431 : i32
      %add3A_433 = arith.constant 2 : i32
      %add3A_434 = arith.addi %mul3A_432, %add3A_433 : i32
      %dma_start3A_435 = arith.constant 2 : i32
      %dma_start3A_436 = arith.constant 0 : i32
      %dma_start3A_437 = arith.constant 0 : i32
      %dma_start3A_438 = tpu.memref_slice %arg6[%dma_start3A_435, %dma_start3A_436, %dma_start3A_437] : memref<8x50x32xf32, #tpu.memory_space<vmem>> -> memref<1x50x32xf32, #tpu.memory_space<vmem>>
      %dma_start3A_439 = tpu.memref_squeeze %dma_start3A_438 : memref<1x50x32xf32, #tpu.memory_space<vmem>> -> memref<50x32xf32, #tpu.memory_space<vmem>>
      %dma_start3A_440 = arith.constant 0 : i32
      %dma_start3A_441 = tpu.memref_slice %arg5[%add3A_434, %dma_start3A_440] : memref<512x50xi32, #tpu.memory_space<vmem>> -> memref<1x50xi32, #tpu.memory_space<vmem>>
      %dma_start3A_442 = tpu.memref_squeeze %dma_start3A_441 : memref<1x50xi32, #tpu.memory_space<vmem>> -> memref<50xi32, #tpu.memory_space<vmem>>
      %dma_start3A_443 = arith.constant 0 : i32
      %dma_start3A_444 = arith.constant 0 : i32
      %dma_start3A_445 = tpu.memref_slice %arg3[%dma_start3A_443, %dma_start3A_444] : memref<1000000x32xf32, #tpu.memory_space<hbm>> -> memref<1000000x32xf32, #tpu.memory_space<hbm>>
      tpu.enqueue_indirect_dma source(%dma_start3A_445 : memref<1000000x32xf32, #tpu.memory_space<hbm>>) target(%dma_start3A_439 : memref<50x32xf32, #tpu.memory_space<vmem>>) offsets(%dma_start3A_442 : memref<50xi32, #tpu.memory_space<vmem>>) semaphore(%arg8 : memref<!tpu.dma_semaphore, #tpu.memory_space<semaphore_mem>>)
      %mul3A_446 = arith.constant 8 : i32
      %mul3A_447 = arith.muli %add3A_400, %mul3A_446 : i32
      %add3A_448 = arith.constant 3 : i32
      %add3A_449 = arith.addi %mul3A_447, %add3A_448 : i32
      %dma_start3A_450 = arith.constant 3 : i32
      %dma_start3A_451 = arith.constant 0 : i32
      %dma_start3A_452 = arith.constant 0 : i32
      %dma_start3A_453 = tpu.memref_slice %arg6[%dma_start3A_450, %dma_start3A_451, %dma_start3A_452] : memref<8x50x32xf32, #tpu.memory_space<vmem>> -> memref<1x50x32xf32, #tpu.memory_space<vmem>>
      %dma_start3A_454 = tpu.memref_squeeze %dma_start3A_453 : memref<1x50x32xf32, #tpu.memory_space<vmem>> -> memref<50x32xf32, #tpu.memory_space<vmem>>
      %dma_start3A_455 = arith.constant 0 : i32
      %dma_start3A_456 = tpu.memref_slice %arg5[%add3A_449, %dma_start3A_455] : memref<512x50xi32, #tpu.memory_space<vmem>> -> memref<1x50xi32, #tpu.memory_space<vmem>>
      %dma_start3A_457 = tpu.memref_squeeze %dma_start3A_456 : memref<1x50xi32, #tpu.memory_space<vmem>> -> memref<50xi32, #tpu.memory_space<vmem>>
      %dma_start3A_458 = arith.constant 0 : i32
      %dma_start3A_459 = arith.constant 0 : i32
      %dma_start3A_460 = tpu.memref_slice %arg3[%dma_start3A_458, %dma_start3A_459] : memref<1000000x32xf32, #tpu.memory_space<hbm>> -> memref<1000000x32xf32, #tpu.memory_space<hbm>>
      tpu.enqueue_indirect_dma source(%dma_start3A_460 : memref<1000000x32xf32, #tpu.memory_space<hbm>>) target(%dma_start3A_454 : memref<50x32xf32, #tpu.memory_space<vmem>>) offsets(%dma_start3A_457 : memref<50xi32, #tpu.memory_space<vmem>>) semaphore(%arg8 : memref<!tpu.dma_semaphore, #tpu.memory_space<semaphore_mem>>)
      %mul3A_461 = arith.constant 8 : i32
      %mul3A_462 = arith.muli %add3A_400, %mul3A_461 : i32
      %add3A_463 = arith.constant 4 : i32
      %add3A_464 = arith.addi %mul3A_462, %add3A_463 : i32
      %dma_start3A_465 = arith.constant 4 : i32
      %dma_start3A_466 = arith.constant 0 : i32
      %dma_start3A_467 = arith.constant 0 : i32
      %dma_start3A_468 = tpu.memref_slice %arg6[%dma_start3A_465, %dma_start3A_466, %dma_start3A_467] : memref<8x50x32xf32, #tpu.memory_space<vmem>> -> memref<1x50x32xf32, #tpu.memory_space<vmem>>
      %dma_start3A_469 = tpu.memref_squeeze %dma_start3A_468 : memref<1x50x32xf32, #tpu.memory_space<vmem>> -> memref<50x32xf32, #tpu.memory_space<vmem>>
      %dma_start3A_470 = arith.constant 0 : i32
      %dma_start3A_471 = tpu.memref_slice %arg5[%add3A_464, %dma_start3A_470] : memref<512x50xi32, #tpu.memory_space<vmem>> -> memref<1x50xi32, #tpu.memory_space<vmem>>
      %dma_start3A_472 = tpu.memref_squeeze %dma_start3A_471 : memref<1x50xi32, #tpu.memory_space<vmem>> -> memref<50xi32, #tpu.memory_space<vmem>>
      %dma_start3A_473 = arith.constant 0 : i32
      %dma_start3A_474 = arith.constant 0 : i32
      %dma_start3A_475 = tpu.memref_slice %arg3[%dma_start3A_473, %dma_start3A_474] : memref<1000000x32xf32, #tpu.memory_space<hbm>> -> memref<1000000x32xf32, #tpu.memory_space<hbm>>
      tpu.enqueue_indirect_dma source(%dma_start3A_475 : memref<1000000x32xf32, #tpu.memory_space<hbm>>) target(%dma_start3A_469 : memref<50x32xf32, #tpu.memory_space<vmem>>) offsets(%dma_start3A_472 : memref<50xi32, #tpu.memory_space<vmem>>) semaphore(%arg8 : memref<!tpu.dma_semaphore, #tpu.memory_space<semaphore_mem>>)
      %mul3A_476 = arith.constant 8 : i32
      %mul3A_477 = arith.muli %add3A_400, %mul3A_476 : i32
      %add3A_478 = arith.constant 5 : i32
      %add3A_479 = arith.addi %mul3A_477, %add3A_478 : i32
      %dma_start3A_480 = arith.constant 5 : i32
      %dma_start3A_481 = arith.constant 0 : i32
      %dma_start3A_482 = arith.constant 0 : i32
      %dma_start3A_483 = tpu.memref_slice %arg6[%dma_start3A_480, %dma_start3A_481, %dma_start3A_482] : memref<8x50x32xf32, #tpu.memory_space<vmem>> -> memref<1x50x32xf32, #tpu.memory_space<vmem>>
      %dma_start3A_484 = tpu.memref_squeeze %dma_start3A_483 : memref<1x50x32xf32, #tpu.memory_space<vmem>> -> memref<50x32xf32, #tpu.memory_space<vmem>>
      %dma_start3A_485 = arith.constant 0 : i32
      %dma_start3A_486 = tpu.memref_slice %arg5[%add3A_479, %dma_start3A_485] : memref<512x50xi32, #tpu.memory_space<vmem>> -> memref<1x50xi32, #tpu.memory_space<vmem>>
      %dma_start3A_487 = tpu.memref_squeeze %dma_start3A_486 : memref<1x50xi32, #tpu.memory_space<vmem>> -> memref<50xi32, #tpu.memory_space<vmem>>
      %dma_start3A_488 = arith.constant 0 : i32
      %dma_start3A_489 = arith.constant 0 : i32
      %dma_start3A_490 = tpu.memref_slice %arg3[%dma_start3A_488, %dma_start3A_489] : memref<1000000x32xf32, #tpu.memory_space<hbm>> -> memref<1000000x32xf32, #tpu.memory_space<hbm>>
      tpu.enqueue_indirect_dma source(%dma_start3A_490 : memref<1000000x32xf32, #tpu.memory_space<hbm>>) target(%dma_start3A_484 : memref<50x32xf32, #tpu.memory_space<vmem>>) offsets(%dma_start3A_487 : memref<50xi32, #tpu.memory_space<vmem>>) semaphore(%arg8 : memref<!tpu.dma_semaphore, #tpu.memory_space<semaphore_mem>>)
      %mul3A_491 = arith.constant 8 : i32
      %mul3A_492 = arith.muli %add3A_400, %mul3A_491 : i32
      %add3A_493 = arith.constant 6 : i32
      %add3A_494 = arith.addi %mul3A_492, %add3A_493 : i32
      %dma_start3A_495 = arith.constant 6 : i32
      %dma_start3A_496 = arith.constant 0 : i32
      %dma_start3A_497 = arith.constant 0 : i32
      %dma_start3A_498 = tpu.memref_slice %arg6[%dma_start3A_495, %dma_start3A_496, %dma_start3A_497] : memref<8x50x32xf32, #tpu.memory_space<vmem>> -> memref<1x50x32xf32, #tpu.memory_space<vmem>>
      %dma_start3A_499 = tpu.memref_squeeze %dma_start3A_498 : memref<1x50x32xf32, #tpu.memory_space<vmem>> -> memref<50x32xf32, #tpu.memory_space<vmem>>
      %dma_start3A_500 = arith.constant 0 : i32
      %dma_start3A_501 = tpu.memref_slice %arg5[%add3A_494, %dma_start3A_500] : memref<512x50xi32, #tpu.memory_space<vmem>> -> memref<1x50xi32, #tpu.memory_space<vmem>>
      %dma_start3A_502 = tpu.memref_squeeze %dma_start3A_501 : memref<1x50xi32, #tpu.memory_space<vmem>> -> memref<50xi32, #tpu.memory_space<vmem>>
      %dma_start3A_503 = arith.constant 0 : i32
      %dma_start3A_504 = arith.constant 0 : i32
      %dma_start3A_505 = tpu.memref_slice %arg3[%dma_start3A_503, %dma_start3A_504] : memref<1000000x32xf32, #tpu.memory_space<hbm>> -> memref<1000000x32xf32, #tpu.memory_space<hbm>>
      tpu.enqueue_indirect_dma source(%dma_start3A_505 : memref<1000000x32xf32, #tpu.memory_space<hbm>>) target(%dma_start3A_499 : memref<50x32xf32, #tpu.memory_space<vmem>>) offsets(%dma_start3A_502 : memref<50xi32, #tpu.memory_space<vmem>>) semaphore(%arg8 : memref<!tpu.dma_semaphore, #tpu.memory_space<semaphore_mem>>)
      %mul3A_506 = arith.constant 8 : i32
      %mul3A_507 = arith.muli %add3A_400, %mul3A_506 : i32
      %add3A_508 = arith.constant 7 : i32
      %add3A_509 = arith.addi %mul3A_507, %add3A_508 : i32
      %dma_start3A_510 = arith.constant 7 : i32
      %dma_start3A_511 = arith.constant 0 : i32
      %dma_start3A_512 = arith.constant 0 : i32
      %dma_start3A_513 = tpu.memref_slice %arg6[%dma_start3A_510, %dma_start3A_511, %dma_start3A_512] : memref<8x50x32xf32, #tpu.memory_space<vmem>> -> memref<1x50x32xf32, #tpu.memory_space<vmem>>
      %dma_start3A_514 = tpu.memref_squeeze %dma_start3A_513 : memref<1x50x32xf32, #tpu.memory_space<vmem>> -> memref<50x32xf32, #tpu.memory_space<vmem>>
      %dma_start3A_515 = arith.constant 0 : i32
      %dma_start3A_516 = tpu.memref_slice %arg5[%add3A_509, %dma_start3A_515] : memref<512x50xi32, #tpu.memory_space<vmem>> -> memref<1x50xi32, #tpu.memory_space<vmem>>
      %dma_start3A_517 = tpu.memref_squeeze %dma_start3A_516 : memref<1x50xi32, #tpu.memory_space<vmem>> -> memref<50xi32, #tpu.memory_space<vmem>>
      %dma_start3A_518 = arith.constant 0 : i32
      %dma_start3A_519 = arith.constant 0 : i32
      %dma_start3A_520 = tpu.memref_slice %arg3[%dma_start3A_518, %dma_start3A_519] : memref<1000000x32xf32, #tpu.memory_space<hbm>> -> memref<1000000x32xf32, #tpu.memory_space<hbm>>
      tpu.enqueue_indirect_dma source(%dma_start3A_520 : memref<1000000x32xf32, #tpu.memory_space<hbm>>) target(%dma_start3A_514 : memref<50x32xf32, #tpu.memory_space<vmem>>) offsets(%dma_start3A_517 : memref<50xi32, #tpu.memory_space<vmem>>) semaphore(%arg8 : memref<!tpu.dma_semaphore, #tpu.memory_space<semaphore_mem>>)
      %mul3A_521 = arith.constant 8 : i32
      %mul3A_522 = arith.muli %add3A_398, %mul3A_521 : i32
      %add3A_523 = arith.constant 0 : i32
      %add3A_524 = arith.addi %mul3A_522, %add3A_523 : i32
      %dma_wait3A_525 = arith.constant 0 : i32
      %dma_wait3A_526 = arith.constant 0 : i32
      %dma_wait3A_527 = arith.constant 0 : i32
      %dma_wait3A_528 = tpu.memref_slice %arg7[%dma_wait3A_525, %dma_wait3A_526, %dma_wait3A_527] : memref<8x50x32xf32, #tpu.memory_space<vmem>> -> memref<1x50x32xf32, #tpu.memory_space<vmem>>
      %dma_wait3A_529 = tpu.memref_squeeze %dma_wait3A_528 : memref<1x50x32xf32, #tpu.memory_space<vmem>> -> memref<50x32xf32, #tpu.memory_space<vmem>>
      %dma_wait3A_530 = arith.constant 0 : i32
      %dma_wait3A_531 = tpu.memref_slice %arg5[%add3A_524, %dma_wait3A_530] : memref<512x50xi32, #tpu.memory_space<vmem>> -> memref<1x50xi32, #tpu.memory_space<vmem>>
      %dma_wait3A_532 = tpu.memref_squeeze %dma_wait3A_531 : memref<1x50xi32, #tpu.memory_space<vmem>> -> memref<50xi32, #tpu.memory_space<vmem>>
      %dma_wait3A_533 = arith.constant 0 : i32
      %dma_wait3A_534 = arith.constant 0 : i32
      %dma_wait3A_535 = tpu.memref_slice %arg3[%dma_wait3A_533, %dma_wait3A_534] : memref<1000000x32xf32, #tpu.memory_space<hbm>> -> memref<1000000x32xf32, #tpu.memory_space<hbm>>
      tpu.wait_indirect_dma semaphore(%arg9 : memref<!tpu.dma_semaphore, #tpu.memory_space<semaphore_mem>>) src(%dma_wait3A_535 : memref<1000000x32xf32, #tpu.memory_space<hbm>>) dst(%dma_wait3A_529 : memref<50x32xf32, #tpu.memory_space<vmem>>)
      %mul3A_536 = arith.constant 8 : i32
      %mul3A_537 = arith.muli %add3A_398, %mul3A_536 : i32
      %add3A_538 = arith.constant 1 : i32
      %add3A_539 = arith.addi %mul3A_537, %add3A_538 : i32
      %dma_wait3A_540 = arith.constant 1 : i32
      %dma_wait3A_541 = arith.constant 0 : i32
      %dma_wait3A_542 = arith.constant 0 : i32
      %dma_wait3A_543 = tpu.memref_slice %arg7[%dma_wait3A_540, %dma_wait3A_541, %dma_wait3A_542] : memref<8x50x32xf32, #tpu.memory_space<vmem>> -> memref<1x50x32xf32, #tpu.memory_space<vmem>>
      %dma_wait3A_544 = tpu.memref_squeeze %dma_wait3A_543 : memref<1x50x32xf32, #tpu.memory_space<vmem>> -> memref<50x32xf32, #tpu.memory_space<vmem>>
      %dma_wait3A_545 = arith.constant 0 : i32
      %dma_wait3A_546 = tpu.memref_slice %arg5[%add3A_539, %dma_wait3A_545] : memref<512x50xi32, #tpu.memory_space<vmem>> -> memref<1x50xi32, #tpu.memory_space<vmem>>
      %dma_wait3A_547 = tpu.memref_squeeze %dma_wait3A_546 : memref<1x50xi32, #tpu.memory_space<vmem>> -> memref<50xi32, #tpu.memory_space<vmem>>
      %dma_wait3A_548 = arith.constant 0 : i32
      %dma_wait3A_549 = arith.constant 0 : i32
      %dma_wait3A_550 = tpu.memref_slice %arg3[%dma_wait3A_548, %dma_wait3A_549] : memref<1000000x32xf32, #tpu.memory_space<hbm>> -> memref<1000000x32xf32, #tpu.memory_space<hbm>>
      tpu.wait_indirect_dma semaphore(%arg9 : memref<!tpu.dma_semaphore, #tpu.memory_space<semaphore_mem>>) src(%dma_wait3A_550 : memref<1000000x32xf32, #tpu.memory_space<hbm>>) dst(%dma_wait3A_544 : memref<50x32xf32, #tpu.memory_space<vmem>>)
      %mul3A_551 = arith.constant 8 : i32
      %mul3A_552 = arith.muli %add3A_398, %mul3A_551 : i32
      %add3A_553 = arith.constant 2 : i32
      %add3A_554 = arith.addi %mul3A_552, %add3A_553 : i32
      %dma_wait3A_555 = arith.constant 2 : i32
      %dma_wait3A_556 = arith.constant 0 : i32
      %dma_wait3A_557 = arith.constant 0 : i32
      %dma_wait3A_558 = tpu.memref_slice %arg7[%dma_wait3A_555, %dma_wait3A_556, %dma_wait3A_557] : memref<8x50x32xf32, #tpu.memory_space<vmem>> -> memref<1x50x32xf32, #tpu.memory_space<vmem>>
      %dma_wait3A_559 = tpu.memref_squeeze %dma_wait3A_558 : memref<1x50x32xf32, #tpu.memory_space<vmem>> -> memref<50x32xf32, #tpu.memory_space<vmem>>
      %dma_wait3A_560 = arith.constant 0 : i32
      %dma_wait3A_561 = tpu.memref_slice %arg5[%add3A_554, %dma_wait3A_560] : memref<512x50xi32, #tpu.memory_space<vmem>> -> memref<1x50xi32, #tpu.memory_space<vmem>>
      %dma_wait3A_562 = tpu.memref_squeeze %dma_wait3A_561 : memref<1x50xi32, #tpu.memory_space<vmem>> -> memref<50xi32, #tpu.memory_space<vmem>>
      %dma_wait3A_563 = arith.constant 0 : i32
      %dma_wait3A_564 = arith.constant 0 : i32
      %dma_wait3A_565 = tpu.memref_slice %arg3[%dma_wait3A_563, %dma_wait3A_564] : memref<1000000x32xf32, #tpu.memory_space<hbm>> -> memref<1000000x32xf32, #tpu.memory_space<hbm>>
      tpu.wait_indirect_dma semaphore(%arg9 : memref<!tpu.dma_semaphore, #tpu.memory_space<semaphore_mem>>) src(%dma_wait3A_565 : memref<1000000x32xf32, #tpu.memory_space<hbm>>) dst(%dma_wait3A_559 : memref<50x32xf32, #tpu.memory_space<vmem>>)
      %mul3A_566 = arith.constant 8 : i32
      %mul3A_567 = arith.muli %add3A_398, %mul3A_566 : i32
      %add3A_568 = arith.constant 3 : i32
      %add3A_569 = arith.addi %mul3A_567, %add3A_568 : i32
      %dma_wait3A_570 = arith.constant 3 : i32
      %dma_wait3A_571 = arith.constant 0 : i32
      %dma_wait3A_572 = arith.constant 0 : i32
      %dma_wait3A_573 = tpu.memref_slice %arg7[%dma_wait3A_570, %dma_wait3A_571, %dma_wait3A_572] : memref<8x50x32xf32, #tpu.memory_space<vmem>> -> memref<1x50x32xf32, #tpu.memory_space<vmem>>
      %dma_wait3A_574 = tpu.memref_squeeze %dma_wait3A_573 : memref<1x50x32xf32, #tpu.memory_space<vmem>> -> memref<50x32xf32, #tpu.memory_space<vmem>>
      %dma_wait3A_575 = arith.constant 0 : i32
      %dma_wait3A_576 = tpu.memref_slice %arg5[%add3A_569, %dma_wait3A_575] : memref<512x50xi32, #tpu.memory_space<vmem>> -> memref<1x50xi32, #tpu.memory_space<vmem>>
      %dma_wait3A_577 = tpu.memref_squeeze %dma_wait3A_576 : memref<1x50xi32, #tpu.memory_space<vmem>> -> memref<50xi32, #tpu.memory_space<vmem>>
      %dma_wait3A_578 = arith.constant 0 : i32
      %dma_wait3A_579 = arith.constant 0 : i32
      %dma_wait3A_580 = tpu.memref_slice %arg3[%dma_wait3A_578, %dma_wait3A_579] : memref<1000000x32xf32, #tpu.memory_space<hbm>> -> memref<1000000x32xf32, #tpu.memory_space<hbm>>
      tpu.wait_indirect_dma semaphore(%arg9 : memref<!tpu.dma_semaphore, #tpu.memory_space<semaphore_mem>>) src(%dma_wait3A_580 : memref<1000000x32xf32, #tpu.memory_space<hbm>>) dst(%dma_wait3A_574 : memref<50x32xf32, #tpu.memory_space<vmem>>)
      %mul3A_581 = arith.constant 8 : i32
      %mul3A_582 = arith.muli %add3A_398, %mul3A_581 : i32
      %add3A_583 = arith.constant 4 : i32
      %add3A_584 = arith.addi %mul3A_582, %add3A_583 : i32
      %dma_wait3A_585 = arith.constant 4 : i32
      %dma_wait3A_586 = arith.constant 0 : i32
      %dma_wait3A_587 = arith.constant 0 : i32
      %dma_wait3A_588 = tpu.memref_slice %arg7[%dma_wait3A_585, %dma_wait3A_586, %dma_wait3A_587] : memref<8x50x32xf32, #tpu.memory_space<vmem>> -> memref<1x50x32xf32, #tpu.memory_space<vmem>>
      %dma_wait3A_589 = tpu.memref_squeeze %dma_wait3A_588 : memref<1x50x32xf32, #tpu.memory_space<vmem>> -> memref<50x32xf32, #tpu.memory_space<vmem>>
      %dma_wait3A_590 = arith.constant 0 : i32
      %dma_wait3A_591 = tpu.memref_slice %arg5[%add3A_584, %dma_wait3A_590] : memref<512x50xi32, #tpu.memory_space<vmem>> -> memref<1x50xi32, #tpu.memory_space<vmem>>
      %dma_wait3A_592 = tpu.memref_squeeze %dma_wait3A_591 : memref<1x50xi32, #tpu.memory_space<vmem>> -> memref<50xi32, #tpu.memory_space<vmem>>
      %dma_wait3A_593 = arith.constant 0 : i32
      %dma_wait3A_594 = arith.constant 0 : i32
      %dma_wait3A_595 = tpu.memref_slice %arg3[%dma_wait3A_593, %dma_wait3A_594] : memref<1000000x32xf32, #tpu.memory_space<hbm>> -> memref<1000000x32xf32, #tpu.memory_space<hbm>>
      tpu.wait_indirect_dma semaphore(%arg9 : memref<!tpu.dma_semaphore, #tpu.memory_space<semaphore_mem>>) src(%dma_wait3A_595 : memref<1000000x32xf32, #tpu.memory_space<hbm>>) dst(%dma_wait3A_589 : memref<50x32xf32, #tpu.memory_space<vmem>>)
      %mul3A_596 = arith.constant 8 : i32
      %mul3A_597 = arith.muli %add3A_398, %mul3A_596 : i32
      %add3A_598 = arith.constant 5 : i32
      %add3A_599 = arith.addi %mul3A_597, %add3A_598 : i32
      %dma_wait3A_600 = arith.constant 5 : i32
      %dma_wait3A_601 = arith.constant 0 : i32
      %dma_wait3A_602 = arith.constant 0 : i32
      %dma_wait3A_603 = tpu.memref_slice %arg7[%dma_wait3A_600, %dma_wait3A_601, %dma_wait3A_602] : memref<8x50x32xf32, #tpu.memory_space<vmem>> -> memref<1x50x32xf32, #tpu.memory_space<vmem>>
      %dma_wait3A_604 = tpu.memref_squeeze %dma_wait3A_603 : memref<1x50x32xf32, #tpu.memory_space<vmem>> -> memref<50x32xf32, #tpu.memory_space<vmem>>
      %dma_wait3A_605 = arith.constant 0 : i32
      %dma_wait3A_606 = tpu.memref_slice %arg5[%add3A_599, %dma_wait3A_605] : memref<512x50xi32, #tpu.memory_space<vmem>> -> memref<1x50xi32, #tpu.memory_space<vmem>>
      %dma_wait3A_607 = tpu.memref_squeeze %dma_wait3A_606 : memref<1x50xi32, #tpu.memory_space<vmem>> -> memref<50xi32, #tpu.memory_space<vmem>>
      %dma_wait3A_608 = arith.constant 0 : i32
      %dma_wait3A_609 = arith.constant 0 : i32
      %dma_wait3A_610 = tpu.memref_slice %arg3[%dma_wait3A_608, %dma_wait3A_609] : memref<1000000x32xf32, #tpu.memory_space<hbm>> -> memref<1000000x32xf32, #tpu.memory_space<hbm>>
      tpu.wait_indirect_dma semaphore(%arg9 : memref<!tpu.dma_semaphore, #tpu.memory_space<semaphore_mem>>) src(%dma_wait3A_610 : memref<1000000x32xf32, #tpu.memory_space<hbm>>) dst(%dma_wait3A_604 : memref<50x32xf32, #tpu.memory_space<vmem>>)
      %mul3A_611 = arith.constant 8 : i32
      %mul3A_612 = arith.muli %add3A_398, %mul3A_611 : i32
      %add3A_613 = arith.constant 6 : i32
      %add3A_614 = arith.addi %mul3A_612, %add3A_613 : i32
      %dma_wait3A_615 = arith.constant 6 : i32
      %dma_wait3A_616 = arith.constant 0 : i32
      %dma_wait3A_617 = arith.constant 0 : i32
      %dma_wait3A_618 = tpu.memref_slice %arg7[%dma_wait3A_615, %dma_wait3A_616, %dma_wait3A_617] : memref<8x50x32xf32, #tpu.memory_space<vmem>> -> memref<1x50x32xf32, #tpu.memory_space<vmem>>
      %dma_wait3A_619 = tpu.memref_squeeze %dma_wait3A_618 : memref<1x50x32xf32, #tpu.memory_space<vmem>> -> memref<50x32xf32, #tpu.memory_space<vmem>>
      %dma_wait3A_620 = arith.constant 0 : i32
      %dma_wait3A_621 = tpu.memref_slice %arg5[%add3A_614, %dma_wait3A_620] : memref<512x50xi32, #tpu.memory_space<vmem>> -> memref<1x50xi32, #tpu.memory_space<vmem>>
      %dma_wait3A_622 = tpu.memref_squeeze %dma_wait3A_621 : memref<1x50xi32, #tpu.memory_space<vmem>> -> memref<50xi32, #tpu.memory_space<vmem>>
      %dma_wait3A_623 = arith.constant 0 : i32
      %dma_wait3A_624 = arith.constant 0 : i32
      %dma_wait3A_625 = tpu.memref_slice %arg3[%dma_wait3A_623, %dma_wait3A_624] : memref<1000000x32xf32, #tpu.memory_space<hbm>> -> memref<1000000x32xf32, #tpu.memory_space<hbm>>
      tpu.wait_indirect_dma semaphore(%arg9 : memref<!tpu.dma_semaphore, #tpu.memory_space<semaphore_mem>>) src(%dma_wait3A_625 : memref<1000000x32xf32, #tpu.memory_space<hbm>>) dst(%dma_wait3A_619 : memref<50x32xf32, #tpu.memory_space<vmem>>)
      %mul3A_626 = arith.constant 8 : i32
      %mul3A_627 = arith.muli %add3A_398, %mul3A_626 : i32
      %add3A_628 = arith.constant 7 : i32
      %add3A_629 = arith.addi %mul3A_627, %add3A_628 : i32
      %dma_wait3A_630 = arith.constant 7 : i32
      %dma_wait3A_631 = arith.constant 0 : i32
      %dma_wait3A_632 = arith.constant 0 : i32
      %dma_wait3A_633 = tpu.memref_slice %arg7[%dma_wait3A_630, %dma_wait3A_631, %dma_wait3A_632] : memref<8x50x32xf32, #tpu.memory_space<vmem>> -> memref<1x50x32xf32, #tpu.memory_space<vmem>>
      %dma_wait3A_634 = tpu.memref_squeeze %dma_wait3A_633 : memref<1x50x32xf32, #tpu.memory_space<vmem>> -> memref<50x32xf32, #tpu.memory_space<vmem>>
      %dma_wait3A_635 = arith.constant 0 : i32
      %dma_wait3A_636 = tpu.memref_slice %arg5[%add3A_629, %dma_wait3A_635] : memref<512x50xi32, #tpu.memory_space<vmem>> -> memref<1x50xi32, #tpu.memory_space<vmem>>
      %dma_wait3A_637 = tpu.memref_squeeze %dma_wait3A_636 : memref<1x50xi32, #tpu.memory_space<vmem>> -> memref<50xi32, #tpu.memory_space<vmem>>
      %dma_wait3A_638 = arith.constant 0 : i32
      %dma_wait3A_639 = arith.constant 0 : i32
      %dma_wait3A_640 = tpu.memref_slice %arg3[%dma_wait3A_638, %dma_wait3A_639] : memref<1000000x32xf32, #tpu.memory_space<hbm>> -> memref<1000000x32xf32, #tpu.memory_space<hbm>>
      tpu.wait_indirect_dma semaphore(%arg9 : memref<!tpu.dma_semaphore, #tpu.memory_space<semaphore_mem>>) src(%dma_wait3A_640 : memref<1000000x32xf32, #tpu.memory_space<hbm>>) dst(%dma_wait3A_634 : memref<50x32xf32, #tpu.memory_space<vmem>>)
      %mul3A_641 = arith.constant 8 : i32
      %mul3A_642 = arith.muli %add3A_398, %mul3A_641 : i32
      %add3A_643 = arith.addi %mul3A_2, %mul3A_642 : i32
      "tpu.region"() ({
        %run_scoped3A = tpu.sem_alloc : memref<!tpu.dma_semaphore, #tpu.memory_space<semaphore_mem>>
        %dma_start3A_893 = arith.constant 0 : i32
        %dma_start3A_894 = arith.constant 0 : i32
        %dma_start3A_895 = tpu.memref_slice %arg4[%add3A_643, %dma_start3A_893, %dma_start3A_894] : memref<16384x50x32xf32, #tpu.memory_space<hbm>> -> memref<8x50x32xf32, #tpu.memory_space<hbm>>
        %dma_start3A_896 = arith.constant 0 : i32
        %dma_start3A_897 = arith.constant 0 : i32
        %dma_start3A_898 = tpu.memref_slice %arg4[%add3A_643, %dma_start3A_896, %dma_start3A_897] : memref<16384x50x32xf32, #tpu.memory_space<hbm>> -> memref<8x50x32xf32, #tpu.memory_space<hbm>>
        tpu.enqueue_dma source(%arg7 : memref<8x50x32xf32, #tpu.memory_space<vmem>>) target(%dma_start3A_898 : memref<8x50x32xf32, #tpu.memory_space<hbm>>) target_semaphore(%run_scoped3A : memref<!tpu.dma_semaphore, #tpu.memory_space<semaphore_mem>>)
        %dma_wait3A_899 = arith.constant 0 : i32
        %dma_wait3A_900 = arith.constant 0 : i32
        %dma_wait3A_901 = tpu.memref_slice %arg4[%add3A_643, %dma_wait3A_899, %dma_wait3A_900] : memref<16384x50x32xf32, #tpu.memory_space<hbm>> -> memref<8x50x32xf32, #tpu.memory_space<hbm>>
        %dma_wait3A_902 = arith.constant 0 : i32
        %dma_wait3A_903 = arith.constant 0 : i32
        %dma_wait3A_904 = tpu.memref_slice %arg4[%add3A_643, %dma_wait3A_902, %dma_wait3A_903] : memref<16384x50x32xf32, #tpu.memory_space<hbm>> -> memref<8x50x32xf32, #tpu.memory_space<hbm>>
        tpu.wait_dma2 semaphore(%run_scoped3A : memref<!tpu.dma_semaphore, #tpu.memory_space<semaphore_mem>>) src(%arg7 : memref<8x50x32xf32, #tpu.memory_space<vmem>>) dst(%dma_wait3A_904 : memref<8x50x32xf32, #tpu.memory_space<hbm>>)
        tpu.yield
      }) : () -> ()
      %add3A_644 = arith.constant 2 : i32
      %add3A_645 = arith.addi %add3A_398, %add3A_644 : i32
      %mul3A_646 = arith.constant 8 : i32
      %mul3A_647 = arith.muli %add3A_645, %mul3A_646 : i32
      %add3A_648 = arith.constant 0 : i32
      %add3A_649 = arith.addi %mul3A_647, %add3A_648 : i32
      %dma_start3A_650 = arith.constant 0 : i32
      %dma_start3A_651 = arith.constant 0 : i32
      %dma_start3A_652 = arith.constant 0 : i32
      %dma_start3A_653 = tpu.memref_slice %arg7[%dma_start3A_650, %dma_start3A_651, %dma_start3A_652] : memref<8x50x32xf32, #tpu.memory_space<vmem>> -> memref<1x50x32xf32, #tpu.memory_space<vmem>>
      %dma_start3A_654 = tpu.memref_squeeze %dma_start3A_653 : memref<1x50x32xf32, #tpu.memory_space<vmem>> -> memref<50x32xf32, #tpu.memory_space<vmem>>
      %dma_start3A_655 = arith.constant 0 : i32
      %dma_start3A_656 = tpu.memref_slice %arg5[%add3A_649, %dma_start3A_655] : memref<512x50xi32, #tpu.memory_space<vmem>> -> memref<1x50xi32, #tpu.memory_space<vmem>>
      %dma_start3A_657 = tpu.memref_squeeze %dma_start3A_656 : memref<1x50xi32, #tpu.memory_space<vmem>> -> memref<50xi32, #tpu.memory_space<vmem>>
      %dma_start3A_658 = arith.constant 0 : i32
      %dma_start3A_659 = arith.constant 0 : i32
      %dma_start3A_660 = tpu.memref_slice %arg3[%dma_start3A_658, %dma_start3A_659] : memref<1000000x32xf32, #tpu.memory_space<hbm>> -> memref<1000000x32xf32, #tpu.memory_space<hbm>>
      tpu.enqueue_indirect_dma source(%dma_start3A_660 : memref<1000000x32xf32, #tpu.memory_space<hbm>>) target(%dma_start3A_654 : memref<50x32xf32, #tpu.memory_space<vmem>>) offsets(%dma_start3A_657 : memref<50xi32, #tpu.memory_space<vmem>>) semaphore(%arg9 : memref<!tpu.dma_semaphore, #tpu.memory_space<semaphore_mem>>)
      %mul3A_661 = arith.constant 8 : i32
      %mul3A_662 = arith.muli %add3A_645, %mul3A_661 : i32
      %add3A_663 = arith.constant 1 : i32
      %add3A_664 = arith.addi %mul3A_662, %add3A_663 : i32
      %dma_start3A_665 = arith.constant 1 : i32
      %dma_start3A_666 = arith.constant 0 : i32
      %dma_start3A_667 = arith.constant 0 : i32
      %dma_start3A_668 = tpu.memref_slice %arg7[%dma_start3A_665, %dma_start3A_666, %dma_start3A_667] : memref<8x50x32xf32, #tpu.memory_space<vmem>> -> memref<1x50x32xf32, #tpu.memory_space<vmem>>
      %dma_start3A_669 = tpu.memref_squeeze %dma_start3A_668 : memref<1x50x32xf32, #tpu.memory_space<vmem>> -> memref<50x32xf32, #tpu.memory_space<vmem>>
      %dma_start3A_670 = arith.constant 0 : i32
      %dma_start3A_671 = tpu.memref_slice %arg5[%add3A_664, %dma_start3A_670] : memref<512x50xi32, #tpu.memory_space<vmem>> -> memref<1x50xi32, #tpu.memory_space<vmem>>
      %dma_start3A_672 = tpu.memref_squeeze %dma_start3A_671 : memref<1x50xi32, #tpu.memory_space<vmem>> -> memref<50xi32, #tpu.memory_space<vmem>>
      %dma_start3A_673 = arith.constant 0 : i32
      %dma_start3A_674 = arith.constant 0 : i32
      %dma_start3A_675 = tpu.memref_slice %arg3[%dma_start3A_673, %dma_start3A_674] : memref<1000000x32xf32, #tpu.memory_space<hbm>> -> memref<1000000x32xf32, #tpu.memory_space<hbm>>
      tpu.enqueue_indirect_dma source(%dma_start3A_675 : memref<1000000x32xf32, #tpu.memory_space<hbm>>) target(%dma_start3A_669 : memref<50x32xf32, #tpu.memory_space<vmem>>) offsets(%dma_start3A_672 : memref<50xi32, #tpu.memory_space<vmem>>) semaphore(%arg9 : memref<!tpu.dma_semaphore, #tpu.memory_space<semaphore_mem>>)
      %mul3A_676 = arith.constant 8 : i32
      %mul3A_677 = arith.muli %add3A_645, %mul3A_676 : i32
      %add3A_678 = arith.constant 2 : i32
      %add3A_679 = arith.addi %mul3A_677, %add3A_678 : i32
      %dma_start3A_680 = arith.constant 2 : i32
      %dma_start3A_681 = arith.constant 0 : i32
      %dma_start3A_682 = arith.constant 0 : i32
      %dma_start3A_683 = tpu.memref_slice %arg7[%dma_start3A_680, %dma_start3A_681, %dma_start3A_682] : memref<8x50x32xf32, #tpu.memory_space<vmem>> -> memref<1x50x32xf32, #tpu.memory_space<vmem>>
      %dma_start3A_684 = tpu.memref_squeeze %dma_start3A_683 : memref<1x50x32xf32, #tpu.memory_space<vmem>> -> memref<50x32xf32, #tpu.memory_space<vmem>>
      %dma_start3A_685 = arith.constant 0 : i32
      %dma_start3A_686 = tpu.memref_slice %arg5[%add3A_679, %dma_start3A_685] : memref<512x50xi32, #tpu.memory_space<vmem>> -> memref<1x50xi32, #tpu.memory_space<vmem>>
      %dma_start3A_687 = tpu.memref_squeeze %dma_start3A_686 : memref<1x50xi32, #tpu.memory_space<vmem>> -> memref<50xi32, #tpu.memory_space<vmem>>
      %dma_start3A_688 = arith.constant 0 : i32
      %dma_start3A_689 = arith.constant 0 : i32
      %dma_start3A_690 = tpu.memref_slice %arg3[%dma_start3A_688, %dma_start3A_689] : memref<1000000x32xf32, #tpu.memory_space<hbm>> -> memref<1000000x32xf32, #tpu.memory_space<hbm>>
      tpu.enqueue_indirect_dma source(%dma_start3A_690 : memref<1000000x32xf32, #tpu.memory_space<hbm>>) target(%dma_start3A_684 : memref<50x32xf32, #tpu.memory_space<vmem>>) offsets(%dma_start3A_687 : memref<50xi32, #tpu.memory_space<vmem>>) semaphore(%arg9 : memref<!tpu.dma_semaphore, #tpu.memory_space<semaphore_mem>>)
      %mul3A_691 = arith.constant 8 : i32
      %mul3A_692 = arith.muli %add3A_645, %mul3A_691 : i32
      %add3A_693 = arith.constant 3 : i32
      %add3A_694 = arith.addi %mul3A_692, %add3A_693 : i32
      %dma_start3A_695 = arith.constant 3 : i32
      %dma_start3A_696 = arith.constant 0 : i32
      %dma_start3A_697 = arith.constant 0 : i32
      %dma_start3A_698 = tpu.memref_slice %arg7[%dma_start3A_695, %dma_start3A_696, %dma_start3A_697] : memref<8x50x32xf32, #tpu.memory_space<vmem>> -> memref<1x50x32xf32, #tpu.memory_space<vmem>>
      %dma_start3A_699 = tpu.memref_squeeze %dma_start3A_698 : memref<1x50x32xf32, #tpu.memory_space<vmem>> -> memref<50x32xf32, #tpu.memory_space<vmem>>
      %dma_start3A_700 = arith.constant 0 : i32
      %dma_start3A_701 = tpu.memref_slice %arg5[%add3A_694, %dma_start3A_700] : memref<512x50xi32, #tpu.memory_space<vmem>> -> memref<1x50xi32, #tpu.memory_space<vmem>>
      %dma_start3A_702 = tpu.memref_squeeze %dma_start3A_701 : memref<1x50xi32, #tpu.memory_space<vmem>> -> memref<50xi32, #tpu.memory_space<vmem>>
      %dma_start3A_703 = arith.constant 0 : i32
      %dma_start3A_704 = arith.constant 0 : i32
      %dma_start3A_705 = tpu.memref_slice %arg3[%dma_start3A_703, %dma_start3A_704] : memref<1000000x32xf32, #tpu.memory_space<hbm>> -> memref<1000000x32xf32, #tpu.memory_space<hbm>>
      tpu.enqueue_indirect_dma source(%dma_start3A_705 : memref<1000000x32xf32, #tpu.memory_space<hbm>>) target(%dma_start3A_699 : memref<50x32xf32, #tpu.memory_space<vmem>>) offsets(%dma_start3A_702 : memref<50xi32, #tpu.memory_space<vmem>>) semaphore(%arg9 : memref<!tpu.dma_semaphore, #tpu.memory_space<semaphore_mem>>)
      %mul3A_706 = arith.constant 8 : i32
      %mul3A_707 = arith.muli %add3A_645, %mul3A_706 : i32
      %add3A_708 = arith.constant 4 : i32
      %add3A_709 = arith.addi %mul3A_707, %add3A_708 : i32
      %dma_start3A_710 = arith.constant 4 : i32
      %dma_start3A_711 = arith.constant 0 : i32
      %dma_start3A_712 = arith.constant 0 : i32
      %dma_start3A_713 = tpu.memref_slice %arg7[%dma_start3A_710, %dma_start3A_711, %dma_start3A_712] : memref<8x50x32xf32, #tpu.memory_space<vmem>> -> memref<1x50x32xf32, #tpu.memory_space<vmem>>
      %dma_start3A_714 = tpu.memref_squeeze %dma_start3A_713 : memref<1x50x32xf32, #tpu.memory_space<vmem>> -> memref<50x32xf32, #tpu.memory_space<vmem>>
      %dma_start3A_715 = arith.constant 0 : i32
      %dma_start3A_716 = tpu.memref_slice %arg5[%add3A_709, %dma_start3A_715] : memref<512x50xi32, #tpu.memory_space<vmem>> -> memref<1x50xi32, #tpu.memory_space<vmem>>
      %dma_start3A_717 = tpu.memref_squeeze %dma_start3A_716 : memref<1x50xi32, #tpu.memory_space<vmem>> -> memref<50xi32, #tpu.memory_space<vmem>>
      %dma_start3A_718 = arith.constant 0 : i32
      %dma_start3A_719 = arith.constant 0 : i32
      %dma_start3A_720 = tpu.memref_slice %arg3[%dma_start3A_718, %dma_start3A_719] : memref<1000000x32xf32, #tpu.memory_space<hbm>> -> memref<1000000x32xf32, #tpu.memory_space<hbm>>
      tpu.enqueue_indirect_dma source(%dma_start3A_720 : memref<1000000x32xf32, #tpu.memory_space<hbm>>) target(%dma_start3A_714 : memref<50x32xf32, #tpu.memory_space<vmem>>) offsets(%dma_start3A_717 : memref<50xi32, #tpu.memory_space<vmem>>) semaphore(%arg9 : memref<!tpu.dma_semaphore, #tpu.memory_space<semaphore_mem>>)
      %mul3A_721 = arith.constant 8 : i32
      %mul3A_722 = arith.muli %add3A_645, %mul3A_721 : i32
      %add3A_723 = arith.constant 5 : i32
      %add3A_724 = arith.addi %mul3A_722, %add3A_723 : i32
      %dma_start3A_725 = arith.constant 5 : i32
      %dma_start3A_726 = arith.constant 0 : i32
      %dma_start3A_727 = arith.constant 0 : i32
      %dma_start3A_728 = tpu.memref_slice %arg7[%dma_start3A_725, %dma_start3A_726, %dma_start3A_727] : memref<8x50x32xf32, #tpu.memory_space<vmem>> -> memref<1x50x32xf32, #tpu.memory_space<vmem>>
      %dma_start3A_729 = tpu.memref_squeeze %dma_start3A_728 : memref<1x50x32xf32, #tpu.memory_space<vmem>> -> memref<50x32xf32, #tpu.memory_space<vmem>>
      %dma_start3A_730 = arith.constant 0 : i32
      %dma_start3A_731 = tpu.memref_slice %arg5[%add3A_724, %dma_start3A_730] : memref<512x50xi32, #tpu.memory_space<vmem>> -> memref<1x50xi32, #tpu.memory_space<vmem>>
      %dma_start3A_732 = tpu.memref_squeeze %dma_start3A_731 : memref<1x50xi32, #tpu.memory_space<vmem>> -> memref<50xi32, #tpu.memory_space<vmem>>
      %dma_start3A_733 = arith.constant 0 : i32
      %dma_start3A_734 = arith.constant 0 : i32
      %dma_start3A_735 = tpu.memref_slice %arg3[%dma_start3A_733, %dma_start3A_734] : memref<1000000x32xf32, #tpu.memory_space<hbm>> -> memref<1000000x32xf32, #tpu.memory_space<hbm>>
      tpu.enqueue_indirect_dma source(%dma_start3A_735 : memref<1000000x32xf32, #tpu.memory_space<hbm>>) target(%dma_start3A_729 : memref<50x32xf32, #tpu.memory_space<vmem>>) offsets(%dma_start3A_732 : memref<50xi32, #tpu.memory_space<vmem>>) semaphore(%arg9 : memref<!tpu.dma_semaphore, #tpu.memory_space<semaphore_mem>>)
      %mul3A_736 = arith.constant 8 : i32
      %mul3A_737 = arith.muli %add3A_645, %mul3A_736 : i32
      %add3A_738 = arith.constant 6 : i32
      %add3A_739 = arith.addi %mul3A_737, %add3A_738 : i32
      %dma_start3A_740 = arith.constant 6 : i32
      %dma_start3A_741 = arith.constant 0 : i32
      %dma_start3A_742 = arith.constant 0 : i32
      %dma_start3A_743 = tpu.memref_slice %arg7[%dma_start3A_740, %dma_start3A_741, %dma_start3A_742] : memref<8x50x32xf32, #tpu.memory_space<vmem>> -> memref<1x50x32xf32, #tpu.memory_space<vmem>>
      %dma_start3A_744 = tpu.memref_squeeze %dma_start3A_743 : memref<1x50x32xf32, #tpu.memory_space<vmem>> -> memref<50x32xf32, #tpu.memory_space<vmem>>
      %dma_start3A_745 = arith.constant 0 : i32
      %dma_start3A_746 = tpu.memref_slice %arg5[%add3A_739, %dma_start3A_745] : memref<512x50xi32, #tpu.memory_space<vmem>> -> memref<1x50xi32, #tpu.memory_space<vmem>>
      %dma_start3A_747 = tpu.memref_squeeze %dma_start3A_746 : memref<1x50xi32, #tpu.memory_space<vmem>> -> memref<50xi32, #tpu.memory_space<vmem>>
      %dma_start3A_748 = arith.constant 0 : i32
      %dma_start3A_749 = arith.constant 0 : i32
      %dma_start3A_750 = tpu.memref_slice %arg3[%dma_start3A_748, %dma_start3A_749] : memref<1000000x32xf32, #tpu.memory_space<hbm>> -> memref<1000000x32xf32, #tpu.memory_space<hbm>>
      tpu.enqueue_indirect_dma source(%dma_start3A_750 : memref<1000000x32xf32, #tpu.memory_space<hbm>>) target(%dma_start3A_744 : memref<50x32xf32, #tpu.memory_space<vmem>>) offsets(%dma_start3A_747 : memref<50xi32, #tpu.memory_space<vmem>>) semaphore(%arg9 : memref<!tpu.dma_semaphore, #tpu.memory_space<semaphore_mem>>)
      %mul3A_751 = arith.constant 8 : i32
      %mul3A_752 = arith.muli %add3A_645, %mul3A_751 : i32
      %add3A_753 = arith.constant 7 : i32
      %add3A_754 = arith.addi %mul3A_752, %add3A_753 : i32
      %dma_start3A_755 = arith.constant 7 : i32
      %dma_start3A_756 = arith.constant 0 : i32
      %dma_start3A_757 = arith.constant 0 : i32
      %dma_start3A_758 = tpu.memref_slice %arg7[%dma_start3A_755, %dma_start3A_756, %dma_start3A_757] : memref<8x50x32xf32, #tpu.memory_space<vmem>> -> memref<1x50x32xf32, #tpu.memory_space<vmem>>
      %dma_start3A_759 = tpu.memref_squeeze %dma_start3A_758 : memref<1x50x32xf32, #tpu.memory_space<vmem>> -> memref<50x32xf32, #tpu.memory_space<vmem>>
      %dma_start3A_760 = arith.constant 0 : i32
      %dma_start3A_761 = tpu.memref_slice %arg5[%add3A_754, %dma_start3A_760] : memref<512x50xi32, #tpu.memory_space<vmem>> -> memref<1x50xi32, #tpu.memory_space<vmem>>
      %dma_start3A_762 = tpu.memref_squeeze %dma_start3A_761 : memref<1x50xi32, #tpu.memory_space<vmem>> -> memref<50xi32, #tpu.memory_space<vmem>>
      %dma_start3A_763 = arith.constant 0 : i32
      %dma_start3A_764 = arith.constant 0 : i32
      %dma_start3A_765 = tpu.memref_slice %arg3[%dma_start3A_763, %dma_start3A_764] : memref<1000000x32xf32, #tpu.memory_space<hbm>> -> memref<1000000x32xf32, #tpu.memory_space<hbm>>
      tpu.enqueue_indirect_dma source(%dma_start3A_765 : memref<1000000x32xf32, #tpu.memory_space<hbm>>) target(%dma_start3A_759 : memref<50x32xf32, #tpu.memory_space<vmem>>) offsets(%dma_start3A_762 : memref<50xi32, #tpu.memory_space<vmem>>) semaphore(%arg9 : memref<!tpu.dma_semaphore, #tpu.memory_space<semaphore_mem>>)
      %add3A_766 = arith.constant 1 : i32
      %add3A_767 = arith.addi %add3A_398, %add3A_766 : i32
      %mul3A_768 = arith.constant 8 : i32
      %mul3A_769 = arith.muli %add3A_767, %mul3A_768 : i32
      %add3A_770 = arith.constant 0 : i32
      %add3A_771 = arith.addi %mul3A_769, %add3A_770 : i32
      %dma_wait3A_772 = arith.constant 0 : i32
      %dma_wait3A_773 = arith.constant 0 : i32
      %dma_wait3A_774 = arith.constant 0 : i32
      %dma_wait3A_775 = tpu.memref_slice %arg6[%dma_wait3A_772, %dma_wait3A_773, %dma_wait3A_774] : memref<8x50x32xf32, #tpu.memory_space<vmem>> -> memref<1x50x32xf32, #tpu.memory_space<vmem>>
      %dma_wait3A_776 = tpu.memref_squeeze %dma_wait3A_775 : memref<1x50x32xf32, #tpu.memory_space<vmem>> -> memref<50x32xf32, #tpu.memory_space<vmem>>
      %dma_wait3A_777 = arith.constant 0 : i32
      %dma_wait3A_778 = tpu.memref_slice %arg5[%add3A_771, %dma_wait3A_777] : memref<512x50xi32, #tpu.memory_space<vmem>> -> memref<1x50xi32, #tpu.memory_space<vmem>>
      %dma_wait3A_779 = tpu.memref_squeeze %dma_wait3A_778 : memref<1x50xi32, #tpu.memory_space<vmem>> -> memref<50xi32, #tpu.memory_space<vmem>>
      %dma_wait3A_780 = arith.constant 0 : i32
      %dma_wait3A_781 = arith.constant 0 : i32
      %dma_wait3A_782 = tpu.memref_slice %arg3[%dma_wait3A_780, %dma_wait3A_781] : memref<1000000x32xf32, #tpu.memory_space<hbm>> -> memref<1000000x32xf32, #tpu.memory_space<hbm>>
      tpu.wait_indirect_dma semaphore(%arg8 : memref<!tpu.dma_semaphore, #tpu.memory_space<semaphore_mem>>) src(%dma_wait3A_782 : memref<1000000x32xf32, #tpu.memory_space<hbm>>) dst(%dma_wait3A_776 : memref<50x32xf32, #tpu.memory_space<vmem>>)
      %mul3A_783 = arith.constant 8 : i32
      %mul3A_784 = arith.muli %add3A_767, %mul3A_783 : i32
      %add3A_785 = arith.constant 1 : i32
      %add3A_786 = arith.addi %mul3A_784, %add3A_785 : i32
      %dma_wait3A_787 = arith.constant 1 : i32
      %dma_wait3A_788 = arith.constant 0 : i32
      %dma_wait3A_789 = arith.constant 0 : i32
      %dma_wait3A_790 = tpu.memref_slice %arg6[%dma_wait3A_787, %dma_wait3A_788, %dma_wait3A_789] : memref<8x50x32xf32, #tpu.memory_space<vmem>> -> memref<1x50x32xf32, #tpu.memory_space<vmem>>
      %dma_wait3A_791 = tpu.memref_squeeze %dma_wait3A_790 : memref<1x50x32xf32, #tpu.memory_space<vmem>> -> memref<50x32xf32, #tpu.memory_space<vmem>>
      %dma_wait3A_792 = arith.constant 0 : i32
      %dma_wait3A_793 = tpu.memref_slice %arg5[%add3A_786, %dma_wait3A_792] : memref<512x50xi32, #tpu.memory_space<vmem>> -> memref<1x50xi32, #tpu.memory_space<vmem>>
      %dma_wait3A_794 = tpu.memref_squeeze %dma_wait3A_793 : memref<1x50xi32, #tpu.memory_space<vmem>> -> memref<50xi32, #tpu.memory_space<vmem>>
      %dma_wait3A_795 = arith.constant 0 : i32
      %dma_wait3A_796 = arith.constant 0 : i32
      %dma_wait3A_797 = tpu.memref_slice %arg3[%dma_wait3A_795, %dma_wait3A_796] : memref<1000000x32xf32, #tpu.memory_space<hbm>> -> memref<1000000x32xf32, #tpu.memory_space<hbm>>
      tpu.wait_indirect_dma semaphore(%arg8 : memref<!tpu.dma_semaphore, #tpu.memory_space<semaphore_mem>>) src(%dma_wait3A_797 : memref<1000000x32xf32, #tpu.memory_space<hbm>>) dst(%dma_wait3A_791 : memref<50x32xf32, #tpu.memory_space<vmem>>)
      %mul3A_798 = arith.constant 8 : i32
      %mul3A_799 = arith.muli %add3A_767, %mul3A_798 : i32
      %add3A_800 = arith.constant 2 : i32
      %add3A_801 = arith.addi %mul3A_799, %add3A_800 : i32
      %dma_wait3A_802 = arith.constant 2 : i32
      %dma_wait3A_803 = arith.constant 0 : i32
      %dma_wait3A_804 = arith.constant 0 : i32
      %dma_wait3A_805 = tpu.memref_slice %arg6[%dma_wait3A_802, %dma_wait3A_803, %dma_wait3A_804] : memref<8x50x32xf32, #tpu.memory_space<vmem>> -> memref<1x50x32xf32, #tpu.memory_space<vmem>>
      %dma_wait3A_806 = tpu.memref_squeeze %dma_wait3A_805 : memref<1x50x32xf32, #tpu.memory_space<vmem>> -> memref<50x32xf32, #tpu.memory_space<vmem>>
      %dma_wait3A_807 = arith.constant 0 : i32
      %dma_wait3A_808 = tpu.memref_slice %arg5[%add3A_801, %dma_wait3A_807] : memref<512x50xi32, #tpu.memory_space<vmem>> -> memref<1x50xi32, #tpu.memory_space<vmem>>
      %dma_wait3A_809 = tpu.memref_squeeze %dma_wait3A_808 : memref<1x50xi32, #tpu.memory_space<vmem>> -> memref<50xi32, #tpu.memory_space<vmem>>
      %dma_wait3A_810 = arith.constant 0 : i32
      %dma_wait3A_811 = arith.constant 0 : i32
      %dma_wait3A_812 = tpu.memref_slice %arg3[%dma_wait3A_810, %dma_wait3A_811] : memref<1000000x32xf32, #tpu.memory_space<hbm>> -> memref<1000000x32xf32, #tpu.memory_space<hbm>>
      tpu.wait_indirect_dma semaphore(%arg8 : memref<!tpu.dma_semaphore, #tpu.memory_space<semaphore_mem>>) src(%dma_wait3A_812 : memref<1000000x32xf32, #tpu.memory_space<hbm>>) dst(%dma_wait3A_806 : memref<50x32xf32, #tpu.memory_space<vmem>>)
      %mul3A_813 = arith.constant 8 : i32
      %mul3A_814 = arith.muli %add3A_767, %mul3A_813 : i32
      %add3A_815 = arith.constant 3 : i32
      %add3A_816 = arith.addi %mul3A_814, %add3A_815 : i32
      %dma_wait3A_817 = arith.constant 3 : i32
      %dma_wait3A_818 = arith.constant 0 : i32
      %dma_wait3A_819 = arith.constant 0 : i32
      %dma_wait3A_820 = tpu.memref_slice %arg6[%dma_wait3A_817, %dma_wait3A_818, %dma_wait3A_819] : memref<8x50x32xf32, #tpu.memory_space<vmem>> -> memref<1x50x32xf32, #tpu.memory_space<vmem>>
      %dma_wait3A_821 = tpu.memref_squeeze %dma_wait3A_820 : memref<1x50x32xf32, #tpu.memory_space<vmem>> -> memref<50x32xf32, #tpu.memory_space<vmem>>
      %dma_wait3A_822 = arith.constant 0 : i32
      %dma_wait3A_823 = tpu.memref_slice %arg5[%add3A_816, %dma_wait3A_822] : memref<512x50xi32, #tpu.memory_space<vmem>> -> memref<1x50xi32, #tpu.memory_space<vmem>>
      %dma_wait3A_824 = tpu.memref_squeeze %dma_wait3A_823 : memref<1x50xi32, #tpu.memory_space<vmem>> -> memref<50xi32, #tpu.memory_space<vmem>>
      %dma_wait3A_825 = arith.constant 0 : i32
      %dma_wait3A_826 = arith.constant 0 : i32
      %dma_wait3A_827 = tpu.memref_slice %arg3[%dma_wait3A_825, %dma_wait3A_826] : memref<1000000x32xf32, #tpu.memory_space<hbm>> -> memref<1000000x32xf32, #tpu.memory_space<hbm>>
      tpu.wait_indirect_dma semaphore(%arg8 : memref<!tpu.dma_semaphore, #tpu.memory_space<semaphore_mem>>) src(%dma_wait3A_827 : memref<1000000x32xf32, #tpu.memory_space<hbm>>) dst(%dma_wait3A_821 : memref<50x32xf32, #tpu.memory_space<vmem>>)
      %mul3A_828 = arith.constant 8 : i32
      %mul3A_829 = arith.muli %add3A_767, %mul3A_828 : i32
      %add3A_830 = arith.constant 4 : i32
      %add3A_831 = arith.addi %mul3A_829, %add3A_830 : i32
      %dma_wait3A_832 = arith.constant 4 : i32
      %dma_wait3A_833 = arith.constant 0 : i32
      %dma_wait3A_834 = arith.constant 0 : i32
      %dma_wait3A_835 = tpu.memref_slice %arg6[%dma_wait3A_832, %dma_wait3A_833, %dma_wait3A_834] : memref<8x50x32xf32, #tpu.memory_space<vmem>> -> memref<1x50x32xf32, #tpu.memory_space<vmem>>
      %dma_wait3A_836 = tpu.memref_squeeze %dma_wait3A_835 : memref<1x50x32xf32, #tpu.memory_space<vmem>> -> memref<50x32xf32, #tpu.memory_space<vmem>>
      %dma_wait3A_837 = arith.constant 0 : i32
      %dma_wait3A_838 = tpu.memref_slice %arg5[%add3A_831, %dma_wait3A_837] : memref<512x50xi32, #tpu.memory_space<vmem>> -> memref<1x50xi32, #tpu.memory_space<vmem>>
      %dma_wait3A_839 = tpu.memref_squeeze %dma_wait3A_838 : memref<1x50xi32, #tpu.memory_space<vmem>> -> memref<50xi32, #tpu.memory_space<vmem>>
      %dma_wait3A_840 = arith.constant 0 : i32
      %dma_wait3A_841 = arith.constant 0 : i32
      %dma_wait3A_842 = tpu.memref_slice %arg3[%dma_wait3A_840, %dma_wait3A_841] : memref<1000000x32xf32, #tpu.memory_space<hbm>> -> memref<1000000x32xf32, #tpu.memory_space<hbm>>
      tpu.wait_indirect_dma semaphore(%arg8 : memref<!tpu.dma_semaphore, #tpu.memory_space<semaphore_mem>>) src(%dma_wait3A_842 : memref<1000000x32xf32, #tpu.memory_space<hbm>>) dst(%dma_wait3A_836 : memref<50x32xf32, #tpu.memory_space<vmem>>)
      %mul3A_843 = arith.constant 8 : i32
      %mul3A_844 = arith.muli %add3A_767, %mul3A_843 : i32
      %add3A_845 = arith.constant 5 : i32
      %add3A_846 = arith.addi %mul3A_844, %add3A_845 : i32
      %dma_wait3A_847 = arith.constant 5 : i32
      %dma_wait3A_848 = arith.constant 0 : i32
      %dma_wait3A_849 = arith.constant 0 : i32
      %dma_wait3A_850 = tpu.memref_slice %arg6[%dma_wait3A_847, %dma_wait3A_848, %dma_wait3A_849] : memref<8x50x32xf32, #tpu.memory_space<vmem>> -> memref<1x50x32xf32, #tpu.memory_space<vmem>>
      %dma_wait3A_851 = tpu.memref_squeeze %dma_wait3A_850 : memref<1x50x32xf32, #tpu.memory_space<vmem>> -> memref<50x32xf32, #tpu.memory_space<vmem>>
      %dma_wait3A_852 = arith.constant 0 : i32
      %dma_wait3A_853 = tpu.memref_slice %arg5[%add3A_846, %dma_wait3A_852] : memref<512x50xi32, #tpu.memory_space<vmem>> -> memref<1x50xi32, #tpu.memory_space<vmem>>
      %dma_wait3A_854 = tpu.memref_squeeze %dma_wait3A_853 : memref<1x50xi32, #tpu.memory_space<vmem>> -> memref<50xi32, #tpu.memory_space<vmem>>
      %dma_wait3A_855 = arith.constant 0 : i32
      %dma_wait3A_856 = arith.constant 0 : i32
      %dma_wait3A_857 = tpu.memref_slice %arg3[%dma_wait3A_855, %dma_wait3A_856] : memref<1000000x32xf32, #tpu.memory_space<hbm>> -> memref<1000000x32xf32, #tpu.memory_space<hbm>>
      tpu.wait_indirect_dma semaphore(%arg8 : memref<!tpu.dma_semaphore, #tpu.memory_space<semaphore_mem>>) src(%dma_wait3A_857 : memref<1000000x32xf32, #tpu.memory_space<hbm>>) dst(%dma_wait3A_851 : memref<50x32xf32, #tpu.memory_space<vmem>>)
      %mul3A_858 = arith.constant 8 : i32
      %mul3A_859 = arith.muli %add3A_767, %mul3A_858 : i32
      %add3A_860 = arith.constant 6 : i32
      %add3A_861 = arith.addi %mul3A_859, %add3A_860 : i32
      %dma_wait3A_862 = arith.constant 6 : i32
      %dma_wait3A_863 = arith.constant 0 : i32
      %dma_wait3A_864 = arith.constant 0 : i32
      %dma_wait3A_865 = tpu.memref_slice %arg6[%dma_wait3A_862, %dma_wait3A_863, %dma_wait3A_864] : memref<8x50x32xf32, #tpu.memory_space<vmem>> -> memref<1x50x32xf32, #tpu.memory_space<vmem>>
      %dma_wait3A_866 = tpu.memref_squeeze %dma_wait3A_865 : memref<1x50x32xf32, #tpu.memory_space<vmem>> -> memref<50x32xf32, #tpu.memory_space<vmem>>
      %dma_wait3A_867 = arith.constant 0 : i32
      %dma_wait3A_868 = tpu.memref_slice %arg5[%add3A_861, %dma_wait3A_867] : memref<512x50xi32, #tpu.memory_space<vmem>> -> memref<1x50xi32, #tpu.memory_space<vmem>>
      %dma_wait3A_869 = tpu.memref_squeeze %dma_wait3A_868 : memref<1x50xi32, #tpu.memory_space<vmem>> -> memref<50xi32, #tpu.memory_space<vmem>>
      %dma_wait3A_870 = arith.constant 0 : i32
      %dma_wait3A_871 = arith.constant 0 : i32
      %dma_wait3A_872 = tpu.memref_slice %arg3[%dma_wait3A_870, %dma_wait3A_871] : memref<1000000x32xf32, #tpu.memory_space<hbm>> -> memref<1000000x32xf32, #tpu.memory_space<hbm>>
      tpu.wait_indirect_dma semaphore(%arg8 : memref<!tpu.dma_semaphore, #tpu.memory_space<semaphore_mem>>) src(%dma_wait3A_872 : memref<1000000x32xf32, #tpu.memory_space<hbm>>) dst(%dma_wait3A_866 : memref<50x32xf32, #tpu.memory_space<vmem>>)
      %mul3A_873 = arith.constant 8 : i32
      %mul3A_874 = arith.muli %add3A_767, %mul3A_873 : i32
      %add3A_875 = arith.constant 7 : i32
      %add3A_876 = arith.addi %mul3A_874, %add3A_875 : i32
      %dma_wait3A_877 = arith.constant 7 : i32
      %dma_wait3A_878 = arith.constant 0 : i32
      %dma_wait3A_879 = arith.constant 0 : i32
      %dma_wait3A_880 = tpu.memref_slice %arg6[%dma_wait3A_877, %dma_wait3A_878, %dma_wait3A_879] : memref<8x50x32xf32, #tpu.memory_space<vmem>> -> memref<1x50x32xf32, #tpu.memory_space<vmem>>
      %dma_wait3A_881 = tpu.memref_squeeze %dma_wait3A_880 : memref<1x50x32xf32, #tpu.memory_space<vmem>> -> memref<50x32xf32, #tpu.memory_space<vmem>>
      %dma_wait3A_882 = arith.constant 0 : i32
      %dma_wait3A_883 = tpu.memref_slice %arg5[%add3A_876, %dma_wait3A_882] : memref<512x50xi32, #tpu.memory_space<vmem>> -> memref<1x50xi32, #tpu.memory_space<vmem>>
      %dma_wait3A_884 = tpu.memref_squeeze %dma_wait3A_883 : memref<1x50xi32, #tpu.memory_space<vmem>> -> memref<50xi32, #tpu.memory_space<vmem>>
      %dma_wait3A_885 = arith.constant 0 : i32
      %dma_wait3A_886 = arith.constant 0 : i32
      %dma_wait3A_887 = tpu.memref_slice %arg3[%dma_wait3A_885, %dma_wait3A_886] : memref<1000000x32xf32, #tpu.memory_space<hbm>> -> memref<1000000x32xf32, #tpu.memory_space<hbm>>
      tpu.wait_indirect_dma semaphore(%arg8 : memref<!tpu.dma_semaphore, #tpu.memory_space<semaphore_mem>>) src(%dma_wait3A_887 : memref<1000000x32xf32, #tpu.memory_space<hbm>>) dst(%dma_wait3A_881 : memref<50x32xf32, #tpu.memory_space<vmem>>)
      %add3A_888 = arith.constant 1 : i32
      %add3A_889 = arith.addi %add3A_398, %add3A_888 : i32
      %mul3A_890 = arith.constant 8 : i32
      %mul3A_891 = arith.muli %add3A_889, %mul3A_890 : i32
      %add3A_892 = arith.addi %mul3A_2, %mul3A_891 : i32
      "tpu.region"() ({
        %run_scoped3A = tpu.sem_alloc : memref<!tpu.dma_semaphore, #tpu.memory_space<semaphore_mem>>
        %dma_start3A_893 = arith.constant 0 : i32
        %dma_start3A_894 = arith.constant 0 : i32
        %dma_start3A_895 = tpu.memref_slice %arg4[%add3A_892, %dma_start3A_893, %dma_start3A_894] : memref<16384x50x32xf32, #tpu.memory_space<hbm>> -> memref<8x50x32xf32, #tpu.memory_space<hbm>>
        %dma_start3A_896 = arith.constant 0 : i32
        %dma_start3A_897 = arith.constant 0 : i32
        %dma_start3A_898 = tpu.memref_slice %arg4[%add3A_892, %dma_start3A_896, %dma_start3A_897] : memref<16384x50x32xf32, #tpu.memory_space<hbm>> -> memref<8x50x32xf32, #tpu.memory_space<hbm>>
        tpu.enqueue_dma source(%arg6 : memref<8x50x32xf32, #tpu.memory_space<vmem>>) target(%dma_start3A_898 : memref<8x50x32xf32, #tpu.memory_space<hbm>>) target_semaphore(%run_scoped3A : memref<!tpu.dma_semaphore, #tpu.memory_space<semaphore_mem>>)
        %dma_wait3A_899 = arith.constant 0 : i32
        %dma_wait3A_900 = arith.constant 0 : i32
        %dma_wait3A_901 = tpu.memref_slice %arg4[%add3A_892, %dma_wait3A_899, %dma_wait3A_900] : memref<16384x50x32xf32, #tpu.memory_space<hbm>> -> memref<8x50x32xf32, #tpu.memory_space<hbm>>
        %dma_wait3A_902 = arith.constant 0 : i32
        %dma_wait3A_903 = arith.constant 0 : i32
        %dma_wait3A_904 = tpu.memref_slice %arg4[%add3A_892, %dma_wait3A_902, %dma_wait3A_903] : memref<16384x50x32xf32, #tpu.memory_space<hbm>> -> memref<8x50x32xf32, #tpu.memory_space<hbm>>
        tpu.wait_dma2 semaphore(%run_scoped3A : memref<!tpu.dma_semaphore, #tpu.memory_space<semaphore_mem>>) src(%arg6 : memref<8x50x32xf32, #tpu.memory_space<vmem>>) dst(%dma_wait3A_904 : memref<8x50x32xf32, #tpu.memory_space<hbm>>)
        tpu.yield
      }) : () -> ()
    }
    %scan3A_295 = arith.constant 31 : i32
    %dma_wait3A_296 = arith.constant 504 : i32
    %dma_wait3A_297 = arith.constant 0 : i32
    %dma_wait3A_298 = arith.constant 0 : i32
    %dma_wait3A_299 = arith.constant 0 : i32
    %dma_wait3A_300 = tpu.memref_slice %arg7[%dma_wait3A_297, %dma_wait3A_298, %dma_wait3A_299] : memref<8x50x32xf32, #tpu.memory_space<vmem>> -> memref<1x50x32xf32, #tpu.memory_space<vmem>>
    %dma_wait3A_301 = tpu.memref_squeeze %dma_wait3A_300 : memref<1x50x32xf32, #tpu.memory_space<vmem>> -> memref<50x32xf32, #tpu.memory_space<vmem>>
    %dma_wait3A_302 = arith.constant 0 : i32
    %dma_wait3A_303 = tpu.memref_slice %arg5[%dma_wait3A_296, %dma_wait3A_302] : memref<512x50xi32, #tpu.memory_space<vmem>> -> memref<1x50xi32, #tpu.memory_space<vmem>>
    %dma_wait3A_304 = tpu.memref_squeeze %dma_wait3A_303 : memref<1x50xi32, #tpu.memory_space<vmem>> -> memref<50xi32, #tpu.memory_space<vmem>>
    %dma_wait3A_305 = arith.constant 0 : i32
    %dma_wait3A_306 = arith.constant 0 : i32
    %dma_wait3A_307 = tpu.memref_slice %arg3[%dma_wait3A_305, %dma_wait3A_306] : memref<1000000x32xf32, #tpu.memory_space<hbm>> -> memref<1000000x32xf32, #tpu.memory_space<hbm>>
    tpu.wait_indirect_dma semaphore(%arg9 : memref<!tpu.dma_semaphore, #tpu.memory_space<semaphore_mem>>) src(%dma_wait3A_307 : memref<1000000x32xf32, #tpu.memory_space<hbm>>) dst(%dma_wait3A_301 : memref<50x32xf32, #tpu.memory_space<vmem>>)
    %dma_wait3A_308 = arith.constant 505 : i32
    %dma_wait3A_309 = arith.constant 1 : i32
    %dma_wait3A_310 = arith.constant 0 : i32
    %dma_wait3A_311 = arith.constant 0 : i32
    %dma_wait3A_312 = tpu.memref_slice %arg7[%dma_wait3A_309, %dma_wait3A_310, %dma_wait3A_311] : memref<8x50x32xf32, #tpu.memory_space<vmem>> -> memref<1x50x32xf32, #tpu.memory_space<vmem>>
    %dma_wait3A_313 = tpu.memref_squeeze %dma_wait3A_312 : memref<1x50x32xf32, #tpu.memory_space<vmem>> -> memref<50x32xf32, #tpu.memory_space<vmem>>
    %dma_wait3A_314 = arith.constant 0 : i32
    %dma_wait3A_315 = tpu.memref_slice %arg5[%dma_wait3A_308, %dma_wait3A_314] : memref<512x50xi32, #tpu.memory_space<vmem>> -> memref<1x50xi32, #tpu.memory_space<vmem>>
    %dma_wait3A_316 = tpu.memref_squeeze %dma_wait3A_315 : memref<1x50xi32, #tpu.memory_space<vmem>> -> memref<50xi32, #tpu.memory_space<vmem>>
    %dma_wait3A_317 = arith.constant 0 : i32
    %dma_wait3A_318 = arith.constant 0 : i32
    %dma_wait3A_319 = tpu.memref_slice %arg3[%dma_wait3A_317, %dma_wait3A_318] : memref<1000000x32xf32, #tpu.memory_space<hbm>> -> memref<1000000x32xf32, #tpu.memory_space<hbm>>
    tpu.wait_indirect_dma semaphore(%arg9 : memref<!tpu.dma_semaphore, #tpu.memory_space<semaphore_mem>>) src(%dma_wait3A_319 : memref<1000000x32xf32, #tpu.memory_space<hbm>>) dst(%dma_wait3A_313 : memref<50x32xf32, #tpu.memory_space<vmem>>)
    %dma_wait3A_320 = arith.constant 506 : i32
    %dma_wait3A_321 = arith.constant 2 : i32
    %dma_wait3A_322 = arith.constant 0 : i32
    %dma_wait3A_323 = arith.constant 0 : i32
    %dma_wait3A_324 = tpu.memref_slice %arg7[%dma_wait3A_321, %dma_wait3A_322, %dma_wait3A_323] : memref<8x50x32xf32, #tpu.memory_space<vmem>> -> memref<1x50x32xf32, #tpu.memory_space<vmem>>
    %dma_wait3A_325 = tpu.memref_squeeze %dma_wait3A_324 : memref<1x50x32xf32, #tpu.memory_space<vmem>> -> memref<50x32xf32, #tpu.memory_space<vmem>>
    %dma_wait3A_326 = arith.constant 0 : i32
    %dma_wait3A_327 = tpu.memref_slice %arg5[%dma_wait3A_320, %dma_wait3A_326] : memref<512x50xi32, #tpu.memory_space<vmem>> -> memref<1x50xi32, #tpu.memory_space<vmem>>
    %dma_wait3A_328 = tpu.memref_squeeze %dma_wait3A_327 : memref<1x50xi32, #tpu.memory_space<vmem>> -> memref<50xi32, #tpu.memory_space<vmem>>
    %dma_wait3A_329 = arith.constant 0 : i32
    %dma_wait3A_330 = arith.constant 0 : i32
    %dma_wait3A_331 = tpu.memref_slice %arg3[%dma_wait3A_329, %dma_wait3A_330] : memref<1000000x32xf32, #tpu.memory_space<hbm>> -> memref<1000000x32xf32, #tpu.memory_space<hbm>>
    tpu.wait_indirect_dma semaphore(%arg9 : memref<!tpu.dma_semaphore, #tpu.memory_space<semaphore_mem>>) src(%dma_wait3A_331 : memref<1000000x32xf32, #tpu.memory_space<hbm>>) dst(%dma_wait3A_325 : memref<50x32xf32, #tpu.memory_space<vmem>>)
    %dma_wait3A_332 = arith.constant 507 : i32
    %dma_wait3A_333 = arith.constant 3 : i32
    %dma_wait3A_334 = arith.constant 0 : i32
    %dma_wait3A_335 = arith.constant 0 : i32
    %dma_wait3A_336 = tpu.memref_slice %arg7[%dma_wait3A_333, %dma_wait3A_334, %dma_wait3A_335] : memref<8x50x32xf32, #tpu.memory_space<vmem>> -> memref<1x50x32xf32, #tpu.memory_space<vmem>>
    %dma_wait3A_337 = tpu.memref_squeeze %dma_wait3A_336 : memref<1x50x32xf32, #tpu.memory_space<vmem>> -> memref<50x32xf32, #tpu.memory_space<vmem>>
    %dma_wait3A_338 = arith.constant 0 : i32
    %dma_wait3A_339 = tpu.memref_slice %arg5[%dma_wait3A_332, %dma_wait3A_338] : memref<512x50xi32, #tpu.memory_space<vmem>> -> memref<1x50xi32, #tpu.memory_space<vmem>>
    %dma_wait3A_340 = tpu.memref_squeeze %dma_wait3A_339 : memref<1x50xi32, #tpu.memory_space<vmem>> -> memref<50xi32, #tpu.memory_space<vmem>>
    %dma_wait3A_341 = arith.constant 0 : i32
    %dma_wait3A_342 = arith.constant 0 : i32
    %dma_wait3A_343 = tpu.memref_slice %arg3[%dma_wait3A_341, %dma_wait3A_342] : memref<1000000x32xf32, #tpu.memory_space<hbm>> -> memref<1000000x32xf32, #tpu.memory_space<hbm>>
    tpu.wait_indirect_dma semaphore(%arg9 : memref<!tpu.dma_semaphore, #tpu.memory_space<semaphore_mem>>) src(%dma_wait3A_343 : memref<1000000x32xf32, #tpu.memory_space<hbm>>) dst(%dma_wait3A_337 : memref<50x32xf32, #tpu.memory_space<vmem>>)
    %dma_wait3A_344 = arith.constant 508 : i32
    %dma_wait3A_345 = arith.constant 4 : i32
    %dma_wait3A_346 = arith.constant 0 : i32
    %dma_wait3A_347 = arith.constant 0 : i32
    %dma_wait3A_348 = tpu.memref_slice %arg7[%dma_wait3A_345, %dma_wait3A_346, %dma_wait3A_347] : memref<8x50x32xf32, #tpu.memory_space<vmem>> -> memref<1x50x32xf32, #tpu.memory_space<vmem>>
    %dma_wait3A_349 = tpu.memref_squeeze %dma_wait3A_348 : memref<1x50x32xf32, #tpu.memory_space<vmem>> -> memref<50x32xf32, #tpu.memory_space<vmem>>
    %dma_wait3A_350 = arith.constant 0 : i32
    %dma_wait3A_351 = tpu.memref_slice %arg5[%dma_wait3A_344, %dma_wait3A_350] : memref<512x50xi32, #tpu.memory_space<vmem>> -> memref<1x50xi32, #tpu.memory_space<vmem>>
    %dma_wait3A_352 = tpu.memref_squeeze %dma_wait3A_351 : memref<1x50xi32, #tpu.memory_space<vmem>> -> memref<50xi32, #tpu.memory_space<vmem>>
    %dma_wait3A_353 = arith.constant 0 : i32
    %dma_wait3A_354 = arith.constant 0 : i32
    %dma_wait3A_355 = tpu.memref_slice %arg3[%dma_wait3A_353, %dma_wait3A_354] : memref<1000000x32xf32, #tpu.memory_space<hbm>> -> memref<1000000x32xf32, #tpu.memory_space<hbm>>
    tpu.wait_indirect_dma semaphore(%arg9 : memref<!tpu.dma_semaphore, #tpu.memory_space<semaphore_mem>>) src(%dma_wait3A_355 : memref<1000000x32xf32, #tpu.memory_space<hbm>>) dst(%dma_wait3A_349 : memref<50x32xf32, #tpu.memory_space<vmem>>)
    %dma_wait3A_356 = arith.constant 509 : i32
    %dma_wait3A_357 = arith.constant 5 : i32
    %dma_wait3A_358 = arith.constant 0 : i32
    %dma_wait3A_359 = arith.constant 0 : i32
    %dma_wait3A_360 = tpu.memref_slice %arg7[%dma_wait3A_357, %dma_wait3A_358, %dma_wait3A_359] : memref<8x50x32xf32, #tpu.memory_space<vmem>> -> memref<1x50x32xf32, #tpu.memory_space<vmem>>
    %dma_wait3A_361 = tpu.memref_squeeze %dma_wait3A_360 : memref<1x50x32xf32, #tpu.memory_space<vmem>> -> memref<50x32xf32, #tpu.memory_space<vmem>>
    %dma_wait3A_362 = arith.constant 0 : i32
    %dma_wait3A_363 = tpu.memref_slice %arg5[%dma_wait3A_356, %dma_wait3A_362] : memref<512x50xi32, #tpu.memory_space<vmem>> -> memref<1x50xi32, #tpu.memory_space<vmem>>
    %dma_wait3A_364 = tpu.memref_squeeze %dma_wait3A_363 : memref<1x50xi32, #tpu.memory_space<vmem>> -> memref<50xi32, #tpu.memory_space<vmem>>
    %dma_wait3A_365 = arith.constant 0 : i32
    %dma_wait3A_366 = arith.constant 0 : i32
    %dma_wait3A_367 = tpu.memref_slice %arg3[%dma_wait3A_365, %dma_wait3A_366] : memref<1000000x32xf32, #tpu.memory_space<hbm>> -> memref<1000000x32xf32, #tpu.memory_space<hbm>>
    tpu.wait_indirect_dma semaphore(%arg9 : memref<!tpu.dma_semaphore, #tpu.memory_space<semaphore_mem>>) src(%dma_wait3A_367 : memref<1000000x32xf32, #tpu.memory_space<hbm>>) dst(%dma_wait3A_361 : memref<50x32xf32, #tpu.memory_space<vmem>>)
    %dma_wait3A_368 = arith.constant 510 : i32
    %dma_wait3A_369 = arith.constant 6 : i32
    %dma_wait3A_370 = arith.constant 0 : i32
    %dma_wait3A_371 = arith.constant 0 : i32
    %dma_wait3A_372 = tpu.memref_slice %arg7[%dma_wait3A_369, %dma_wait3A_370, %dma_wait3A_371] : memref<8x50x32xf32, #tpu.memory_space<vmem>> -> memref<1x50x32xf32, #tpu.memory_space<vmem>>
    %dma_wait3A_373 = tpu.memref_squeeze %dma_wait3A_372 : memref<1x50x32xf32, #tpu.memory_space<vmem>> -> memref<50x32xf32, #tpu.memory_space<vmem>>
    %dma_wait3A_374 = arith.constant 0 : i32
    %dma_wait3A_375 = tpu.memref_slice %arg5[%dma_wait3A_368, %dma_wait3A_374] : memref<512x50xi32, #tpu.memory_space<vmem>> -> memref<1x50xi32, #tpu.memory_space<vmem>>
    %dma_wait3A_376 = tpu.memref_squeeze %dma_wait3A_375 : memref<1x50xi32, #tpu.memory_space<vmem>> -> memref<50xi32, #tpu.memory_space<vmem>>
    %dma_wait3A_377 = arith.constant 0 : i32
    %dma_wait3A_378 = arith.constant 0 : i32
    %dma_wait3A_379 = tpu.memref_slice %arg3[%dma_wait3A_377, %dma_wait3A_378] : memref<1000000x32xf32, #tpu.memory_space<hbm>> -> memref<1000000x32xf32, #tpu.memory_space<hbm>>
    tpu.wait_indirect_dma semaphore(%arg9 : memref<!tpu.dma_semaphore, #tpu.memory_space<semaphore_mem>>) src(%dma_wait3A_379 : memref<1000000x32xf32, #tpu.memory_space<hbm>>) dst(%dma_wait3A_373 : memref<50x32xf32, #tpu.memory_space<vmem>>)
    %dma_wait3A_380 = arith.constant 511 : i32
    %dma_wait3A_381 = arith.constant 7 : i32
    %dma_wait3A_382 = arith.constant 0 : i32
    %dma_wait3A_383 = arith.constant 0 : i32
    %dma_wait3A_384 = tpu.memref_slice %arg7[%dma_wait3A_381, %dma_wait3A_382, %dma_wait3A_383] : memref<8x50x32xf32, #tpu.memory_space<vmem>> -> memref<1x50x32xf32, #tpu.memory_space<vmem>>
    %dma_wait3A_385 = tpu.memref_squeeze %dma_wait3A_384 : memref<1x50x32xf32, #tpu.memory_space<vmem>> -> memref<50x32xf32, #tpu.memory_space<vmem>>
    %dma_wait3A_386 = arith.constant 0 : i32
    %dma_wait3A_387 = tpu.memref_slice %arg5[%dma_wait3A_380, %dma_wait3A_386] : memref<512x50xi32, #tpu.memory_space<vmem>> -> memref<1x50xi32, #tpu.memory_space<vmem>>
    %dma_wait3A_388 = tpu.memref_squeeze %dma_wait3A_387 : memref<1x50xi32, #tpu.memory_space<vmem>> -> memref<50xi32, #tpu.memory_space<vmem>>
    %dma_wait3A_389 = arith.constant 0 : i32
    %dma_wait3A_390 = arith.constant 0 : i32
    %dma_wait3A_391 = tpu.memref_slice %arg3[%dma_wait3A_389, %dma_wait3A_390] : memref<1000000x32xf32, #tpu.memory_space<hbm>> -> memref<1000000x32xf32, #tpu.memory_space<hbm>>
    tpu.wait_indirect_dma semaphore(%arg9 : memref<!tpu.dma_semaphore, #tpu.memory_space<semaphore_mem>>) src(%dma_wait3A_391 : memref<1000000x32xf32, #tpu.memory_space<hbm>>) dst(%dma_wait3A_385 : memref<50x32xf32, #tpu.memory_space<vmem>>)
    %add3A_392 = arith.constant 504 : i32
    %add3A_393 = arith.addi %mul3A_2, %add3A_392 : i32
    "tpu.region"() ({
      %run_scoped3A = tpu.sem_alloc : memref<!tpu.dma_semaphore, #tpu.memory_space<semaphore_mem>>
      %dma_start3A_394 = arith.constant 0 : i32
      %dma_start3A_395 = arith.constant 0 : i32
      %dma_start3A_396 = tpu.memref_slice %arg4[%add3A_393, %dma_start3A_394, %dma_start3A_395] : memref<16384x50x32xf32, #tpu.memory_space<hbm>> -> memref<8x50x32xf32, #tpu.memory_space<hbm>>
      %dma_start3A_397 = arith.constant 0 : i32
      %dma_start3A_398 = arith.constant 0 : i32
      %dma_start3A_399 = tpu.memref_slice %arg4[%add3A_393, %dma_start3A_397, %dma_start3A_398] : memref<16384x50x32xf32, #tpu.memory_space<hbm>> -> memref<8x50x32xf32, #tpu.memory_space<hbm>>
      tpu.enqueue_dma source(%arg7 : memref<8x50x32xf32, #tpu.memory_space<vmem>>) target(%dma_start3A_399 : memref<8x50x32xf32, #tpu.memory_space<hbm>>) target_semaphore(%run_scoped3A : memref<!tpu.dma_semaphore, #tpu.memory_space<semaphore_mem>>)
      %dma_wait3A_400 = arith.constant 0 : i32
      %dma_wait3A_401 = arith.constant 0 : i32
      %dma_wait3A_402 = tpu.memref_slice %arg4[%add3A_393, %dma_wait3A_400, %dma_wait3A_401] : memref<16384x50x32xf32, #tpu.memory_space<hbm>> -> memref<8x50x32xf32, #tpu.memory_space<hbm>>
      %dma_wait3A_403 = arith.constant 0 : i32
      %dma_wait3A_404 = arith.constant 0 : i32
      %dma_wait3A_405 = tpu.memref_slice %arg4[%add3A_393, %dma_wait3A_403, %dma_wait3A_404] : memref<16384x50x32xf32, #tpu.memory_space<hbm>> -> memref<8x50x32xf32, #tpu.memory_space<hbm>>
      tpu.wait_dma2 semaphore(%run_scoped3A : memref<!tpu.dma_semaphore, #tpu.memory_space<semaphore_mem>>) src(%arg7 : memref<8x50x32xf32, #tpu.memory_space<vmem>>) dst(%dma_wait3A_405 : memref<8x50x32xf32, #tpu.memory_space<hbm>>)
      tpu.yield
    }) : () -> ()
    return
  }
}

</mosaic_0001>

<sc_bundles>
// kernel: kernel.3.cloned.1.call-start
scs
__scs_entry_jumppad:
0x0: {  	(pc) =	sbr.rel $0x88, $3  }
0x1: {  	(tag) =	ssettag $0x0;
	lr =	simm.s32 $0x1  }
0x2: {  	[smem:$0x3F9F] =	sst lr;
	_ =	strace $0xD0000000  }
0x3: {  	_ = 	snop  }
0x4: {  	_ = 	snop  }
0x5: {  	_ = 	snop  }
0x6: {  	_ = 	snop  }
0x7: {  	_ = 	snop  }
__scs_overlays_trampoline_lowered:
0x8: {  	[smem:$0x3FAE] =	sst s0  }
0x9: {  	[smem:$0x3FAF] =	sst s1  }
0xa: {  	[smem:$0x3FB0] =	sst s2  }
0xb: {  	[smem:$0x3FB1] =	sst s3  }
0xc: {  	[smem:$0x3FB2] =	sst s4  }
0xd: {  	[smem:$0x3FB3] =	sst s5  }
0xe: {  	[smem:$0x3FB4] =	sst s6  }
0xf: {  	[smem:$0x3FB5] =	sst s7  }
0x10: {  	[smem:$0x3FB6] =	sst s8  }
0x11: {  	[smem:$0x3FB7] =	sst s9;
	s0 =	simm.s32 @!p0 $0x0  }
0x12: {  	s1 =	sld [smem:$0x3F9D];
	s0 =	simm.s32 @p0 $0x1  }
0x13: {  	[smem:$0x3FB8] =	sst s0;
	s0 =	simm.s32 @!p1 $0x0  }
0x14: {  	s2 =	sld [smem:$0x3F9C];
	s0 =	simm.s32 @p1 $0x1  }
0x15: {  	[smem:$0x3FB9] =	sst s0;
	s0 =	simm.s32 @!p2 $0x0  }
0x16: {  	s3 =	sld [smem:$0x3FDB];
	s0 =	simm.s32 @p2 $0x1  }
0x17: {  	s4 =	simm.s32 $0x1BF5;
	[smem:$0x3FBB] =	sst s0  }
0x18: {  	s0 =	sld [smem:$0x3F9E];
	_ =	swait.ge [sflag:s4], $0x0  }
0x19: {  	s7 =	sld [smem:$0x3F9F]  }
0x1a: {  	s8 =	sadd.s32 $0xFFFFE003, lr  }
0x1b: {  	s9 =	sadd.s32 $0xFFFFFEF7, lr;
	s5 =	simm.s32 $0xFFFFFFFF;
	p2 =	slt.u32 s8, $0xFFFFF086  }
0x1c: {  	p1 =	slt.u32 s9, $0xF7A;
	s5 =	simm.s32 @!p2 $0x0  }
0x1d: {  	s5 =	simm.s32 @p1 $0x1;
	p0 =	seq.s32 s7, s2  }
0x1e: {  	s7 =	smul.u32 @!p0 $0xF7A, s2;
	p2 =	seq.s32 @!p0 s5, $0x0  }
0x1f: {  	s9 =	smul.u32 $0xF7A, s1;
	s8 =	simm.s32 @!p0 $0x1BF5;
	p2 =	por !p2, p0  }
0x20: {  	[sflag:s8] =	ssyncset.s32 @!p0 $0xFFFFF086;
	s6 =	sadd.s32 @!p0 s3, s7;
	s7 =	simm.s32 @!p0 $0x108  }
0x21: {  	s3 =	sadd.s32 s3, s9;
	s6 =	sadd.s32 @!p0 $0x88, s6;
	s7 =	simm.s32 @p2 $0x1082  }
0x22: {  	[simem:s7], [sflag:s8] =	dma.local @!p0 [hbm:s6], $0xF7A  }
0x23: {  	s9 =	sor.u32 $0xD0000000, s2;
	s6 =	simm.s32 $0x108;
	_ =	swait.ge @!p0 [sflag:s8], $0x0  }
0x24: {  	s3 =	sadd.s32 $0x88, s3;
	s6 =	simm.s32 @!p1 $0x1082;
	[sflag:s4] =	ssyncset.s32 $0xFFFFF086  }
0x25: {  	[simem:s6], [sflag:s4] =	dma.local [hbm:s3], $0xF7A  }
0x26: {  	[smem:$0x3F9F] =	sst s1;
	(tag) =	ssettag s2;
	_ =	strace s9  }
0x27: {  	s1 =	sld [smem:$0x3FAF]  }
0x28: {  	s2 =	sld [smem:$0x3FB0]  }
0x29: {  	s4 =	sld [smem:$0x3FB2]  }
0x2a: {  	p0 =	seq.s32 s5, $0x0;
	s5 =	sld [smem:$0x3FB3]  }
0x2b: {  	s6 =	sld [smem:$0x3FB4]  }
0x2c: {  	s7 =	sld [smem:$0x3FB5]  }
0x2d: {  	s3 =	simm.s32 $0x108;
	s8 =	sld [smem:$0x3FB6]  }
0x2e: {  	s3 =	simm.s32 @!p0 $0x1082;
	s9 =	sld [smem:$0x3FB7]  }
0x2f: {  	lr =	sadd.s32 s0, s3;
	s0 =	sld [smem:$0x3FAE]  }
0x30: {  	s3 =	sld [smem:$0x3FB1]  }
0x31: {  	[smem:$0x3FBA] =	sst s10  }
0x32: {  	s10 =	sld [smem:$0x3FB8];
	_ =	sdelay $0x3  }
0x33: {  	p0 =	seq.s32 s10, $0x1;
	s10 =	sld [smem:$0x3FBA];
	_ =	sdelay $0x3  }
0x34: {  	[smem:$0x3FBA] =	sst s10  }
0x35: {  	s10 =	sld [smem:$0x3FB9];
	_ =	sdelay $0x3  }
0x36: {  	p1 =	seq.s32 s10, $0x1;
	s10 =	sld [smem:$0x3FBA];
	_ =	sdelay $0x3  }
0x37: {  	[smem:$0x3FBA] =	sst s10  }
0x38: {  	s10 =	sld [smem:$0x3FBB]  }
0x39: {  	_ = 	snop;
	(pc) =	sbr.ind lr, $3  }
0x3a: {  	_ = 	snop  }
0x3b: {  	_ = 	snop  }
0x3c: {  	p2 =	seq.s32 s10, $0x1;
	s10 =	sld [smem:$0x3FBA]  }
0x3d: {  	_ =	shalt  }
0x3e: {  	_ =	shalt  }
0x3f: {  	_ =	shalt  }
0x40: {  	_ =	shalt  }
0x41: {  	_ =	shalt  }
0x42: {  	_ =	shalt  }
0x43: {  	_ =	shalt  }
0x44: {  	_ =	shalt  }
0x45: {  	_ =	shalt  }
0x46: {  	_ =	shalt  }
0x47: {  	_ =	shalt  }
0x48: {  	_ =	shalt  }
0x49: {  	_ =	shalt  }
0x4a: {  	_ =	shalt  }
0x4b: {  	_ =	shalt  }
0x4c: {  	_ =	shalt  }
0x4d: {  	_ =	shalt  }
0x4e: {  	_ =	shalt  }
0x4f: {  	_ =	shalt  }
0x50: {  	_ =	shalt  }
0x51: {  	_ =	shalt  }
0x52: {  	_ =	shalt  }
0x53: {  	_ =	shalt  }
0x54: {  	_ =	shalt  }
0x55: {  	_ =	shalt  }
0x56: {  	_ =	shalt  }
0x57: {  	_ =	shalt  }
0x58: {  	_ =	shalt  }
0x59: {  	_ =	shalt  }
0x5a: {  	_ =	shalt  }
0x5b: {  	_ =	shalt  }
0x5c: {  	_ =	shalt  }
0x5d: {  	_ =	shalt  }
0x5e: {  	_ =	shalt  }
0x5f: {  	_ =	shalt  }
0x60: {  	_ =	shalt  }
0x61: {  	_ =	shalt  }
0x62: {  	_ =	shalt  }
0x63: {  	_ =	shalt  }
0x64: {  	_ =	shalt  }
0x65: {  	_ =	shalt  }
0x66: {  	_ =	shalt  }
0x67: {  	_ =	shalt  }
0x68: {  	_ =	shalt  }
0x69: {  	_ =	shalt  }
0x6a: {  	_ =	shalt  }
0x6b: {  	_ =	shalt  }
0x6c: {  	_ =	shalt  }
0x6d: {  	_ =	shalt  }
0x6e: {  	_ =	shalt  }
0x6f: {  	_ =	shalt  }
0x70: {  	_ =	shalt  }
0x71: {  	_ =	shalt  }
0x72: {  	_ =	shalt  }
0x73: {  	_ =	shalt  }
0x74: {  	_ =	shalt  }
0x75: {  	_ =	shalt  }
0x76: {  	_ =	shalt  }
0x77: {  	_ =	shalt  }
0x78: {  	_ =	shalt  }
0x79: {  	_ =	shalt  }
0x7a: {  	_ =	shalt  }
0x7b: {  	_ =	shalt  }
0x7c: {  	_ =	shalt  }
0x7d: {  	_ =	shalt  }
0x7e: {  	_ =	shalt  }
0x7f: {  	_ =	shalt  }
0x80: {  	_ =	shalt  }
0x81: {  	_ =	shalt  }
0x82: {  	_ =	shalt  }
0x83: {  	_ =	shalt  }
0x84: {  	_ =	shalt  }
0x85: {  	_ =	shalt  }
0x86: {  	_ =	shalt  }
0x87: {  	_ =	shalt  }
.Lfunc_end0:
.L_simem_size_0:
called_computation.1_lowered:
.L_overlay_start_0:
0x88: {  	s2 =	sld [smem:$0x3FD9]  }
0x89: {  	s3 =	sld [smem:$0x3FFE];
	_ =	sdelay $0x1  }
0x8a: {  	s1 =	srdreg.scid  }
0x8b: {  	s0 =	sand.u32 $0x1, s1  }
0x8c: {  	s17 =	sshll.u32 s0, $0xA;
	s2 =	sadd.s32 s3, s2  }
0x8d: {  	s2 =	sadd.s32 s2, s17  }
0x8e: {  	[smem:$0x3FC6] =	sst s2  }
0x8f: {  	_ = 	snop  }
0x90: {  	s2 =	sld [smem:$0x3FD0];
	(tm) =	ssettm $0x1  }
0x91: {  	s18 =	sld [smem:$0x3FFB];
	_ =	sdelay $0x3  }
0x92: {  	_ =	strace s18  }
0x93: {  	s3 =	sld [smem:$0x3FFC];
	_ =	sdelay $0x3  }
0x94: {  	_ =	strace s3  }
0x95: {  	s3 =	sld [smem:$0x3FFD];
	_ =	sdelay $0x3  }
0x96: {  	_ =	strace s3  }
0x97: {  	_ =	strace $0x8FFFFFFF  }
0x98: {  	s19 =	sld [smem:$0x3FDB];
	_ =	sdelay $0x1  }
0x99: {  	s4 =	simm.s32 $_scs_section_size  }
0x9a: {  	s5 =	simm.s32 $_size__tile_overlayer_lowered;
	s6 =	simm.s32 $_tile_overlayer_lowered  }
0x9b: {  	s22 =	simm.s32 $0x1BFF;
	s21 =	sshll.u32 s6, $0x1;
	s3 =	sadd.s32 s4, s19  }
0x9c: {  	s7 =	simm.s32 $0x0;
	s20 =	sshll.u32 s5, $0x1;
	s5 =	sadd.s32 s21, s3  }
0x9d: {  	[timem:s7], [sflag:s22] =	dma.local [hbm:s5], s20  }
0x9e: {  	_ =	swait.ge [sflag:s22], s20  }
0x9f: {  	s4 =	ssub.s32 $0x0, s20;
	[sflag:s22] =	ssyncset.done $0x0  }
0xa0: {  	[sflag:s22] =	ssyncadd.s32 s4;
	_ =	sdelay $0x1  }
0xa1: {  	s23 =	simm.s32 $0x1B8B  }
0xa2: {  	_ =	swait.ge [sflag:s23], $0x1  }
0xa3: {  	[sflag:s23] =	ssyncset.done $0x0  }
0xa4: {  	s25 =	simm.s32 $0x1B8E;
	s24 =	sld [smem:$0x3FFE];
	[sflag:s23] =	ssyncadd.s32 $0xFFFFFFFF  }
0xa5: {  	s26 =	simm.s32 $execute0_lowered;
	[smem:$0x3FD2] =	sst s25  }
0xa6: {  	s5 =	sshll.u32 s26, $0x1;
	_ =	strace $0x80000046;
	[dreg:$0x1] =	wrdreg $0xFFFFFFFF  }
0xa7: {  	s28 =	simm.s32 $_size_execute0_lowered;
	s3 =	sadd.s32 s3, s5;
	[dreg:$0x0] =	wrdreg $0x0  }
0xa8: {  	s5 =	sshll.u32 s28, $0x1;
	[dreg:$0x2] =	wrdreg s3  }
0xa9: {  	[dreg:$0x3] =	wrdreg s5  }
0xaa: {  	[dreg:$0x4] =	wrdreg $0xC0  }
0xab: {  	_ =	task [dreg:s7], $0x5FFFF  }
0xac: {  	[dreg:$0x1] =	wrdreg $0xFFFFFFFF  }
0xad: {  	[dreg:$0x0] =	wrdreg $0x60  }
0xae: {  	[dreg:$0x2] =	wrdreg s24  }
0xaf: {  	[dreg:$0x3] =	wrdreg s2  }
0xb0: {  	[dreg:$0x4] =	wrdreg $0x9  }
0xb1: {  	_ =	task.clear_ibuf [dreg:s7], $0x5FFFF;
	_ =	strace $0x90000046  }
0xb2: {  	s29 =	simm.s32 $0x9;
	_ =	strace $0x80000048  }
0xb3: {  	_ =	swait.ge [sflag:s29], $0x1  }
0xb4: {  	[sflag:s29] =	ssyncadd.s32 $0xFFFFFFFF  }
0xb5: {  	_ =	strace $0x90000048  }
0xb6: {  	_ =	sfence  }
0xb7: {  	s30 =	sld [smem:$0x0];
	_ =	sdelay $0x2  }
0xb8: {  	s31 =	sshll.u32 s1, $0xD;
	s1 =	sshrl.u32 s1, $0x2  }
0xb9: {  	s3 =	sand.u32 $0x4000, s31;
	s1 =	sadd.s32 s1, s30  }
0xba: {  	s0 =	sor.u32 s3, s0;
	s1 =	sshll.u32 s1, $0x11  }
0xbb: {  	s0 =	sor.u32 s1, s0  }
0xbc: {  	s0 =	sadd.s32 $0x8F2B, s0  }
0xbd: {  	[sflag:s0] =	ssyncadd.remote.s32 $0x1  }
0xbe: {  	_ =	sfence.sel $0xFFFF  }
0xbf: {  	[dreg:$0x0] =	wrdreg $0xFFFFFFFF;
	(pc) =	sbr.abs _section_cstart, $3  }
0xc0: {  	[dreg:$0x1] =	wrdreg $0xFFFFFFFF  }
0xc1: {  	_ =	task.clear_ibuf [dreg:s7], $0x2FFFF;
	_ =	strace $0x9FFFFFFF  }
0xc2: {  	(tm) =	ssettm $0x7FFFFFFF  }
0xc3: {  	_ =	shalt  }
tec
execute0_lowered:
.L_overlay_start_1:
0x0: {  	(tag) =	ssettag $0x1  }
0x1: {  	s0 =	srdreg.scid  }
0x2: {  	s10 =	stileid.u32;
	s1 =	rddreg [dreg:$0x0]  }
0x3: {  	s4 =	rddreg [dreg:$0x1];
	s11 =	simm.s32 $0x7000;
	s13 =	simm.s32 $0x7640  }
0x4: {  	s15 =	simm.s32 $0x7C80;
	s17 =	simm.s32 $0x82C0;
	s19 =	simm.s32 $0x8900  }
0x5: {  	s21 =	simm.s32 $0x8F40;
	s23 =	simm.s32 $0x9580;
	s28 =	simm.s32 $0xA200  }
0x6: {  	s30 =	simm.s32 $0xA840;
	s12 =	simm.s32 $0xB4C0;
	s16 =	simm.s32 $0xBB00  }
0x7: {  	s20 =	simm.s32 $0xC140;
	s29 =	simm.s32 $0xCDC0;
	s31 =	simm.s32 $0x1  }
0x8: {  	s14 =	simm.s32 $0x0;
	s0 =	sand.u32 $0x1, s0;
	s2 =	sshll.u32 s10, $0xA  }
0x9: {  	s10 =	smul.u32 $0x32000, s10;
	s3 =	sshll.u32 s0, $0x9;
	s7 =	ssub.s32 $0x2, s0  }
0xa: {  	s0 =	smul.u32 $0x19000, s0;
	s3 =	sor.u32 s3, s2;
	s2 =	simm.s32 $0x0  }
0xb: {  	s9 =	sshrl.u32 s7, $0x1;
	s26 =	sadd.s32 s10, s4;
	s5 =	smul.u32 $0x7, s3  }
0xc: {  	s10 =	simm.s32 $0x32;
	[smem:$0x7FF] =	sst s2;
	s6 =	smul.u32 $0xC8, s3  }
0xd: {  	s8 =	smul.u32 $0x640, s3;
	s3 =	sadd.s32 $0xF42E00, s1;
	s24 =	ssub.s32 s7, s9  }
0xe: {  	s0 =	sadd.s32 s0, s26;
	s9 =	simm.s32 $0x3;
	_ =	strace $0x80000047  }
0xf: {  	s7 =	smax.u32 s24, $0x1;
	s24 =	simm.s32 $0xC780;
	s5 =	sadd.s32 s5, s1  }
0x10: {  	s25 =	sshrl.u32 s8, $0x3;
	s6 =	sadd.s32 s4, s6;
	s8 =	sadd.s32 $0x640, s0  }
0x11: {  	s5 =	sadd.s32 $0xA00, s5;
	[dreg:$0x4] =	wrdreg s6;
	s4 =	sadd.s32 s4, s25  }
0x12: {  	s1 =	simm.s32 $0xAE80;
	[dreg:$0x3] =	wrdreg s5;
	s4 =	sadd.s32 $0x189C0, s4  }
0x13: {  	s0 =	simm.s32 $0x2;
	s25 =	simm.s32 $0x9BC0;
	[dreg:$0x5] =	wrdreg s4  }
.LBB2_1:
0x14: {  	s4 =	rddreg [dreg:$0x3]  }
0x15: {  	[tilespmem:s2], [sflag:$0x3] =	stream.linear.gather [hbm4b:s4+s2], $0x7000, $0x38;
	[tilespmem:$0xD400] =	vst v63  }
0x16: {  	_ =	swait.ge [sflag:s9], $0x7000  }
0x17: {  	[sflag:s9] =	ssyncset.done $0x0  }
0x18: {  	[sflag:s9] =	ssyncadd.s32 $0xFFFF9000  }
0x19: {  	[tilespmem:s11], [sflag:$0x1] =	stream.indirect.gather [hbm4b:s3+s10], $0x20, s2, s10, $0xb8;
	[tilespmem:$0xD400] =	vst v63  }
0x1a: {  	s18 =	simm.s32 $0x38  }
0x1b: {  	[tilespmem:s13], [sflag:$0x1] =	stream.indirect.gather [hbm4b:s3+s10], $0x20, s18, s10, $0xb8;
	[tilespmem:$0xD400] =	vst v63  }
0x1c: {  	s22 =	simm.s32 $0x70  }
0x1d: {  	[tilespmem:s15], [sflag:$0x1] =	stream.indirect.gather [hbm4b:s3+s10], $0x20, s22, s10, $0xb8;
	[tilespmem:$0xD400] =	vst v63  }
0x1e: {  	s26 =	simm.s32 $0xA8  }
0x1f: {  	[tilespmem:s17], [sflag:$0x1] =	stream.indirect.gather [hbm4b:s3+s10], $0x20, s26, s10, $0xb8;
	[tilespmem:$0xD400] =	vst v63  }
0x20: {  	s5 =	simm.s32 $0xE0  }
0x21: {  	[tilespmem:s19], [sflag:$0x1] =	stream.indirect.gather [hbm4b:s3+s10], $0x20, s5, s10, $0xb8;
	[tilespmem:$0xD400] =	vst v63  }
0x22: {  	s6 =	simm.s32 $0x118  }
0x23: {  	[tilespmem:s21], [sflag:$0x1] =	stream.indirect.gather [hbm4b:s3+s10], $0x20, s6, s10, $0xb8;
	[tilespmem:$0xD400] =	vst v63  }
0x24: {  	s18 =	simm.s32 $0x150  }
0x25: {  	[tilespmem:s23], [sflag:$0x1] =	stream.indirect.gather [hbm4b:s3+s10], $0x20, s18, s10, $0xb8;
	[tilespmem:$0xD400] =	vst v63  }
0x26: {  	s22 =	simm.s32 $0x188  }
0x27: {  	[tilespmem:s25], [sflag:$0x1] =	stream.indirect.gather [hbm4b:s3+s10], $0x20, s22, s10, $0xb8;
	[tilespmem:$0xD400] =	vst v63  }
0x28: {  	s26 =	simm.s32 $0x1C0  }
0x29: {  	[tilespmem:s28], [sflag:$0x2] =	stream.indirect.gather [hbm4b:s3+s10], $0x20, s26, s10, $0xb8;
	[tilespmem:$0xD400] =	vst v63  }
0x2a: {  	s5 =	simm.s32 $0x1F8  }
0x2b: {  	[tilespmem:s30], [sflag:$0x2] =	stream.indirect.gather [hbm4b:s3+s10], $0x20, s5, s10, $0xb8;
	[tilespmem:$0xD400] =	vst v63  }
0x2c: {  	s6 =	simm.s32 $0x230  }
0x2d: {  	[tilespmem:s1], [sflag:$0x2] =	stream.indirect.gather [hbm4b:s3+s10], $0x20, s6, s10, $0xb8;
	[tilespmem:$0xD400] =	vst v63  }
0x2e: {  	s18 =	simm.s32 $0x268  }
0x2f: {  	[tilespmem:s12], [sflag:$0x2] =	stream.indirect.gather [hbm4b:s3+s10], $0x20, s18, s10, $0xb8;
	[tilespmem:$0xD400] =	vst v63  }
0x30: {  	s22 =	simm.s32 $0x2A0  }
0x31: {  	[tilespmem:s16], [sflag:$0x2] =	stream.indirect.gather [hbm4b:s3+s10], $0x20, s22, s10, $0xb8;
	[tilespmem:$0xD400] =	vst v63  }
0x32: {  	s26 =	simm.s32 $0x2D8  }
0x33: {  	[tilespmem:s20], [sflag:$0x2] =	stream.indirect.gather [hbm4b:s3+s10], $0x20, s26, s10, $0xb8;
	[tilespmem:$0xD400] =	vst v63  }
0x34: {  	s5 =	simm.s32 $0x310  }
0x35: {  	[tilespmem:s24], [sflag:$0x2] =	stream.indirect.gather [hbm4b:s3+s10], $0x20, s5, s10, $0xb8;
	[tilespmem:$0xD400] =	vst v63  }
0x36: {  	s6 =	simm.s32 $0x348  }
0x37: {  	[tilespmem:s29], [sflag:$0x2] =	stream.indirect.gather [hbm4b:s3+s10], $0x20, s6, s10, $0xb8;
	[tilespmem:$0xD400] =	vst v63  }
0x38: {  	_ =	swait.ge [sflag:s31], $0x640  }
0x39: {  	[sflag:s31] =	ssyncset.done $0x0  }
0x3a: {  	[sflag:s31] =	ssyncadd.s32 $0xFFFFF9C0  }
0x3b: {  	_ =	swait.ge [sflag:s31], $0x640  }
0x3c: {  	[sflag:s31] =	ssyncset.done $0x0  }
0x3d: {  	[sflag:s31] =	ssyncadd.s32 $0xFFFFF9C0  }
0x3e: {  	_ =	swait.ge [sflag:s31], $0x640  }
0x3f: {  	[sflag:s31] =	ssyncset.done $0x0  }
0x40: {  	[sflag:s31] =	ssyncadd.s32 $0xFFFFF9C0  }
0x41: {  	_ =	swait.ge [sflag:s31], $0x640  }
0x42: {  	[sflag:s31] =	ssyncset.done $0x0  }
0x43: {  	[sflag:s31] =	ssyncadd.s32 $0xFFFFF9C0  }
0x44: {  	_ =	swait.ge [sflag:s31], $0x640  }
0x45: {  	[sflag:s31] =	ssyncset.done $0x0  }
0x46: {  	[sflag:s31] =	ssyncadd.s32 $0xFFFFF9C0  }
0x47: {  	_ =	swait.ge [sflag:s31], $0x640  }
0x48: {  	[sflag:s31] =	ssyncset.done $0x0  }
0x49: {  	[sflag:s31] =	ssyncadd.s32 $0xFFFFF9C0  }
0x4a: {  	_ =	swait.ge [sflag:s31], $0x640  }
0x4b: {  	[sflag:s31] =	ssyncset.done $0x0  }
0x4c: {  	[sflag:s31] =	ssyncadd.s32 $0xFFFFF9C0  }
0x4d: {  	_ =	swait.ge [sflag:s31], $0x640  }
0x4e: {  	[sflag:s31] =	ssyncset.done $0x0  }
0x4f: {  	s18 =	rddreg [dreg:$0x4];
	[sflag:s31] =	ssyncadd.s32 $0xFFFFF9C0  }
0x50: {  	[hbm4b:s18+s2] =	stream.linear.scatter [tilespmem:s11], [sflag:$0x3], $0x3200, $0x38;
	[tilespmem:$0xD400] =	vst v63  }
0x51: {  	_ =	swait.ge [sflag:s9], $0x3200  }
0x52: {  	[sflag:s9] =	ssyncset.done $0x0  }
0x53: {  	s22 =	simm.s32 $0x380;
	[sflag:s9] =	ssyncadd.s32 $0xFFFFCE00  }
0x54: {  	[tilespmem:s11], [sflag:$0x1] =	stream.indirect.gather [hbm4b:s3+s10], $0x20, s22, s10, $0xb8;
	[tilespmem:$0xD400] =	vst v63  }
0x55: {  	s26 =	simm.s32 $0x3B8  }
0x56: {  	[tilespmem:s13], [sflag:$0x1] =	stream.indirect.gather [hbm4b:s3+s10], $0x20, s26, s10, $0xb8;
	[tilespmem:$0xD400] =	vst v63  }
0x57: {  	s5 =	simm.s32 $0x3F0  }
0x58: {  	[tilespmem:s15], [sflag:$0x1] =	stream.indirect.gather [hbm4b:s3+s10], $0x20, s5, s10, $0xb8;
	[tilespmem:$0xD400] =	vst v63  }
0x59: {  	s6 =	simm.s32 $0x428  }
0x5a: {  	[tilespmem:s17], [sflag:$0x1] =	stream.indirect.gather [hbm4b:s3+s10], $0x20, s6, s10, $0xb8;
	[tilespmem:$0xD400] =	vst v63  }
0x5b: {  	s18 =	simm.s32 $0x460  }
0x5c: {  	[tilespmem:s19], [sflag:$0x1] =	stream.indirect.gather [hbm4b:s3+s10], $0x20, s18, s10, $0xb8;
	[tilespmem:$0xD400] =	vst v63  }
0x5d: {  	s22 =	simm.s32 $0x498  }
0x5e: {  	[tilespmem:s21], [sflag:$0x1] =	stream.indirect.gather [hbm4b:s3+s10], $0x20, s22, s10, $0xb8;
	[tilespmem:$0xD400] =	vst v63  }
0x5f: {  	s26 =	simm.s32 $0x4D0  }
0x60: {  	[tilespmem:s23], [sflag:$0x1] =	stream.indirect.gather [hbm4b:s3+s10], $0x20, s26, s10, $0xb8;
	[tilespmem:$0xD400] =	vst v63  }
0x61: {  	s5 =	simm.s32 $0x508  }
0x62: {  	[tilespmem:s25], [sflag:$0x1] =	stream.indirect.gather [hbm4b:s3+s10], $0x20, s5, s10, $0xb8;
	[tilespmem:$0xD400] =	vst v63  }
0x63: {  	_ =	swait.ge [sflag:s0], $0x640  }
0x64: {  	[sflag:s0] =	ssyncset.done $0x0  }
0x65: {  	[sflag:s0] =	ssyncadd.s32 $0xFFFFF9C0  }
0x66: {  	_ =	swait.ge [sflag:s0], $0x640  }
0x67: {  	[sflag:s0] =	ssyncset.done $0x0  }
0x68: {  	[sflag:s0] =	ssyncadd.s32 $0xFFFFF9C0  }
0x69: {  	_ =	swait.ge [sflag:s0], $0x640  }
0x6a: {  	[sflag:s0] =	ssyncset.done $0x0  }
0x6b: {  	[sflag:s0] =	ssyncadd.s32 $0xFFFFF9C0  }
0x6c: {  	_ =	swait.ge [sflag:s0], $0x640  }
0x6d: {  	[sflag:s0] =	ssyncset.done $0x0  }
0x6e: {  	[sflag:s0] =	ssyncadd.s32 $0xFFFFF9C0  }
0x6f: {  	_ =	swait.ge [sflag:s0], $0x640  }
0x70: {  	[sflag:s0] =	ssyncset.done $0x0  }
0x71: {  	[sflag:s0] =	ssyncadd.s32 $0xFFFFF9C0  }
0x72: {  	_ =	swait.ge [sflag:s0], $0x640  }
0x73: {  	[sflag:s0] =	ssyncset.done $0x0  }
0x74: {  	[sflag:s0] =	ssyncadd.s32 $0xFFFFF9C0  }
0x75: {  	_ =	swait.ge [sflag:s0], $0x640  }
0x76: {  	[sflag:s0] =	ssyncset.done $0x0  }
0x77: {  	[sflag:s0] =	ssyncadd.s32 $0xFFFFF9C0  }
0x78: {  	_ =	swait.ge [sflag:s0], $0x640  }
0x79: {  	[sflag:s0] =	ssyncset.done $0x0  }
0x7a: {  	[sflag:s0] =	ssyncadd.s32 $0xFFFFF9C0  }
0x7b: {  	[hbm4b:s8+s2] =	stream.linear.scatter [tilespmem:s28], [sflag:$0x3], $0x3200, $0x38;
	[tilespmem:$0xD400] =	vst v63  }
0x7c: {  	_ =	swait.ge [sflag:s9], $0x3200  }
0x7d: {  	[sflag:s9] =	ssyncset.done $0x0  }
0x7e: {  	s6 =	simm.s32 $0x540;
	[sflag:s9] =	ssyncadd.s32 $0xFFFFCE00  }
0x7f: {  	[tilespmem:s28], [sflag:$0x2] =	stream.indirect.gather [hbm4b:s3+s10], $0x20, s6, s10, $0xb8;
	[tilespmem:$0xD400] =	vst v63  }
0x80: {  	s18 =	simm.s32 $0x578  }
0x81: {  	[tilespmem:s30], [sflag:$0x2] =	stream.indirect.gather [hbm4b:s3+s10], $0x20, s18, s10, $0xb8;
	[tilespmem:$0xD400] =	vst v63  }
0x82: {  	s22 =	simm.s32 $0x5B0  }
0x83: {  	[tilespmem:s1], [sflag:$0x2] =	stream.indirect.gather [hbm4b:s3+s10], $0x20, s22, s10, $0xb8;
	[tilespmem:$0xD400] =	vst v63  }
0x84: {  	s26 =	simm.s32 $0x5E8  }
0x85: {  	[tilespmem:s12], [sflag:$0x2] =	stream.indirect.gather [hbm4b:s3+s10], $0x20, s26, s10, $0xb8;
	[tilespmem:$0xD400] =	vst v63  }
0x86: {  	s5 =	simm.s32 $0x620  }
0x87: {  	[tilespmem:s16], [sflag:$0x2] =	stream.indirect.gather [hbm4b:s3+s10], $0x20, s5, s10, $0xb8;
	[tilespmem:$0xD400] =	vst v63  }
0x88: {  	s6 =	simm.s32 $0x658  }
0x89: {  	[tilespmem:s20], [sflag:$0x2] =	stream.indirect.gather [hbm4b:s3+s10], $0x20, s6, s10, $0xb8;
	[tilespmem:$0xD400] =	vst v63  }
0x8a: {  	s18 =	simm.s32 $0x690  }
0x8b: {  	[tilespmem:s24], [sflag:$0x2] =	stream.indirect.gather [hbm4b:s3+s10], $0x20, s18, s10, $0xb8;
	[tilespmem:$0xD400] =	vst v63  }
0x8c: {  	s22 =	simm.s32 $0x6C8  }
0x8d: {  	[tilespmem:s29], [sflag:$0x2] =	stream.indirect.gather [hbm4b:s3+s10], $0x20, s22, s10, $0xb8;
	[tilespmem:$0xD400] =	vst v63  }
0x8e: {  	_ =	swait.ge [sflag:s31], $0x640  }
0x8f: {  	[sflag:s31] =	ssyncset.done $0x0  }
0x90: {  	[sflag:s31] =	ssyncadd.s32 $0xFFFFF9C0  }
0x91: {  	_ =	swait.ge [sflag:s31], $0x640  }
0x92: {  	[sflag:s31] =	ssyncset.done $0x0  }
0x93: {  	[sflag:s31] =	ssyncadd.s32 $0xFFFFF9C0  }
0x94: {  	_ =	swait.ge [sflag:s31], $0x640  }
0x95: {  	[sflag:s31] =	ssyncset.done $0x0  }
0x96: {  	[sflag:s31] =	ssyncadd.s32 $0xFFFFF9C0  }
0x97: {  	_ =	swait.ge [sflag:s31], $0x640  }
0x98: {  	[sflag:s31] =	ssyncset.done $0x0  }
0x99: {  	[sflag:s31] =	ssyncadd.s32 $0xFFFFF9C0  }
0x9a: {  	_ =	swait.ge [sflag:s31], $0x640  }
0x9b: {  	[sflag:s31] =	ssyncset.done $0x0  }
0x9c: {  	[sflag:s31] =	ssyncadd.s32 $0xFFFFF9C0  }
0x9d: {  	_ =	swait.ge [sflag:s31], $0x640  }
0x9e: {  	[sflag:s31] =	ssyncset.done $0x0  }
0x9f: {  	[sflag:s31] =	ssyncadd.s32 $0xFFFFF9C0  }
0xa0: {  	_ =	swait.ge [sflag:s31], $0x640  }
0xa1: {  	[sflag:s31] =	ssyncset.done $0x0  }
0xa2: {  	[sflag:s31] =	ssyncadd.s32 $0xFFFFF9C0  }
0xa3: {  	_ =	swait.ge [sflag:s31], $0x640  }
0xa4: {  	[sflag:s31] =	ssyncset.done $0x0  }
0xa5: {  	s26 =	sadd.s32 $0x640, s8;
	[sflag:s31] =	ssyncadd.s32 $0xFFFFF9C0  }
0xa6: {  	[hbm4b:s26+s2] =	stream.linear.scatter [tilespmem:s11], [sflag:$0x3], $0x3200, $0x38;
	[tilespmem:$0xD400] =	vst v63  }
0xa7: {  	s18 =	sadd.s32 $0xC80, s8;
	_ =	swait.ge [sflag:s9], $0x3200  }
0xa8: {  	s22 =	simm.s32 $0x380;
	s26 =	simm.s32 $0x1C00;
	[sflag:s9] =	ssyncset.done $0x0  }
.LBB2_2:
0xa9: {  	s6 =	sadd.s32 $0x380, s22  }
0xaa: {  	[sflag:s9] =	ssyncadd.s32 $0xFFFFCE00;
	s4 =	smov.u32 s26;
	s5 =	sadd.s32 $0xE00, s26  }
0xab: {  	[tilespmem:s11], [sflag:$0x1] =	stream.indirect.gather [hbm4b:s3+s10], $0x20, s6, s10, $0xb8;
	[tilespmem:$0xD400] =	vst v63  }
0xac: {  	p0 =	sne.s32 s26, $0x1A400;
	s6 =	sadd.s32 $0x3B8, s22  }
0xad: {  	[tilespmem:s13], [sflag:$0x1] =	stream.indirect.gather [hbm4b:s3+s10], $0x20, s6, s10, $0xb8;
	[tilespmem:$0xD400] =	vst v63  }
0xae: {  	s6 =	sadd.s32 $0x3F0, s22  }
0xaf: {  	[tilespmem:s15], [sflag:$0x1] =	stream.indirect.gather [hbm4b:s3+s10], $0x20, s6, s10, $0xb8;
	[tilespmem:$0xD400] =	vst v63  }
0xb0: {  	s6 =	sadd.s32 $0x428, s22  }
0xb1: {  	[tilespmem:s17], [sflag:$0x1] =	stream.indirect.gather [hbm4b:s3+s10], $0x20, s6, s10, $0xb8;
	[tilespmem:$0xD400] =	vst v63  }
0xb2: {  	s6 =	sadd.s32 $0x460, s22  }
0xb3: {  	[tilespmem:s19], [sflag:$0x1] =	stream.indirect.gather [hbm4b:s3+s10], $0x20, s6, s10, $0xb8;
	[tilespmem:$0xD400] =	vst v63  }
0xb4: {  	s6 =	sadd.s32 $0x498, s22  }
0xb5: {  	[tilespmem:s21], [sflag:$0x1] =	stream.indirect.gather [hbm4b:s3+s10], $0x20, s6, s10, $0xb8;
	[tilespmem:$0xD400] =	vst v63  }
0xb6: {  	s6 =	sadd.s32 $0x4D0, s22  }
0xb7: {  	[tilespmem:s23], [sflag:$0x1] =	stream.indirect.gather [hbm4b:s3+s10], $0x20, s6, s10, $0xb8;
	[tilespmem:$0xD400] =	vst v63  }
0xb8: {  	s6 =	sadd.s32 $0x508, s22  }
0xb9: {  	[tilespmem:s25], [sflag:$0x1] =	stream.indirect.gather [hbm4b:s3+s10], $0x20, s6, s10, $0xb8;
	[tilespmem:$0xD400] =	vst v63  }
0xba: {  	_ =	swait.ge [sflag:s0], $0x640  }
0xbb: {  	[sflag:s0] =	ssyncset.done $0x0  }
0xbc: {  	[sflag:s0] =	ssyncadd.s32 $0xFFFFF9C0  }
0xbd: {  	_ =	swait.ge [sflag:s0], $0x640  }
0xbe: {  	[sflag:s0] =	ssyncset.done $0x0  }
0xbf: {  	[sflag:s0] =	ssyncadd.s32 $0xFFFFF9C0  }
0xc0: {  	_ =	swait.ge [sflag:s0], $0x640  }
0xc1: {  	[sflag:s0] =	ssyncset.done $0x0  }
0xc2: {  	[sflag:s0] =	ssyncadd.s32 $0xFFFFF9C0  }
0xc3: {  	_ =	swait.ge [sflag:s0], $0x640  }
0xc4: {  	[sflag:s0] =	ssyncset.done $0x0  }
0xc5: {  	[sflag:s0] =	ssyncadd.s32 $0xFFFFF9C0  }
0xc6: {  	_ =	swait.ge [sflag:s0], $0x640  }
0xc7: {  	[sflag:s0] =	ssyncset.done $0x0  }
0xc8: {  	[sflag:s0] =	ssyncadd.s32 $0xFFFFF9C0  }
0xc9: {  	_ =	swait.ge [sflag:s0], $0x640  }
0xca: {  	[sflag:s0] =	ssyncset.done $0x0  }
0xcb: {  	[sflag:s0] =	ssyncadd.s32 $0xFFFFF9C0  }
0xcc: {  	_ =	swait.ge [sflag:s0], $0x640  }
0xcd: {  	[sflag:s0] =	ssyncset.done $0x0  }
0xce: {  	[sflag:s0] =	ssyncadd.s32 $0xFFFFF9C0  }
0xcf: {  	_ =	swait.ge [sflag:s0], $0x640  }
0xd0: {  	[sflag:s0] =	ssyncset.done $0x0  }
0xd1: {  	[sflag:s0] =	ssyncadd.s32 $0xFFFFF9C0  }
0xd2: {  	[hbm4b:s18+s2] =	stream.linear.scatter [tilespmem:s28], [sflag:$0x3], $0x3200, $0x38;
	[tilespmem:$0xD400] =	vst v63  }
0xd3: {  	_ =	swait.ge [sflag:s9], $0x3200  }
0xd4: {  	[sflag:s9] =	ssyncset.done $0x0  }
0xd5: {  	s6 =	sadd.s32 $0x540, s22;
	[sflag:s9] =	ssyncadd.s32 $0xFFFFCE00  }
0xd6: {  	[tilespmem:s28], [sflag:$0x2] =	stream.indirect.gather [hbm4b:s3+s10], $0x20, s6, s10, $0xb8;
	[tilespmem:$0xD400] =	vst v63  }
0xd7: {  	s6 =	sadd.s32 $0x578, s22  }
0xd8: {  	[tilespmem:s30], [sflag:$0x2] =	stream.indirect.gather [hbm4b:s3+s10], $0x20, s6, s10, $0xb8;
	[tilespmem:$0xD400] =	vst v63  }
0xd9: {  	s6 =	sadd.s32 $0x5B0, s22  }
0xda: {  	[tilespmem:s1], [sflag:$0x2] =	stream.indirect.gather [hbm4b:s3+s10], $0x20, s6, s10, $0xb8;
	[tilespmem:$0xD400] =	vst v63  }
0xdb: {  	s6 =	sadd.s32 $0x5E8, s22  }
0xdc: {  	[tilespmem:s12], [sflag:$0x2] =	stream.indirect.gather [hbm4b:s3+s10], $0x20, s6, s10, $0xb8;
	[tilespmem:$0xD400] =	vst v63  }
0xdd: {  	s6 =	sadd.s32 $0x620, s22  }
0xde: {  	[tilespmem:s16], [sflag:$0x2] =	stream.indirect.gather [hbm4b:s3+s10], $0x20, s6, s10, $0xb8;
	[tilespmem:$0xD400] =	vst v63  }
0xdf: {  	s6 =	sadd.s32 $0x658, s22  }
0xe0: {  	[tilespmem:s20], [sflag:$0x2] =	stream.indirect.gather [hbm4b:s3+s10], $0x20, s6, s10, $0xb8;
	[tilespmem:$0xD400] =	vst v63  }
0xe1: {  	s6 =	sadd.s32 $0x690, s22  }
0xe2: {  	[tilespmem:s24], [sflag:$0x2] =	stream.indirect.gather [hbm4b:s3+s10], $0x20, s6, s10, $0xb8;
	[tilespmem:$0xD400] =	vst v63  }
0xe3: {  	s6 =	sadd.s32 $0x6C8, s22  }
0xe4: {  	[tilespmem:s29], [sflag:$0x2] =	stream.indirect.gather [hbm4b:s3+s10], $0x20, s6, s10, $0xb8;
	[tilespmem:$0xD400] =	vst v63  }
0xe5: {  	_ =	swait.ge [sflag:s31], $0x640  }
0xe6: {  	[sflag:s31] =	ssyncset.done $0x0  }
0xe7: {  	[sflag:s31] =	ssyncadd.s32 $0xFFFFF9C0  }
0xe8: {  	_ =	swait.ge [sflag:s31], $0x640  }
0xe9: {  	[sflag:s31] =	ssyncset.done $0x0  }
0xea: {  	[sflag:s31] =	ssyncadd.s32 $0xFFFFF9C0  }
0xeb: {  	_ =	swait.ge [sflag:s31], $0x640  }
0xec: {  	[sflag:s31] =	ssyncset.done $0x0  }
0xed: {  	[sflag:s31] =	ssyncadd.s32 $0xFFFFF9C0  }
0xee: {  	_ =	swait.ge [sflag:s31], $0x640  }
0xef: {  	[sflag:s31] =	ssyncset.done $0x0  }
0xf0: {  	[sflag:s31] =	ssyncadd.s32 $0xFFFFF9C0  }
0xf1: {  	_ =	swait.ge [sflag:s31], $0x640  }
0xf2: {  	[sflag:s31] =	ssyncset.done $0x0  }
0xf3: {  	[sflag:s31] =	ssyncadd.s32 $0xFFFFF9C0  }
0xf4: {  	_ =	swait.ge [sflag:s31], $0x640  }
0xf5: {  	[sflag:s31] =	ssyncset.done $0x0  }
0xf6: {  	[sflag:s31] =	ssyncadd.s32 $0xFFFFF9C0  }
0xf7: {  	_ =	swait.ge [sflag:s31], $0x640  }
0xf8: {  	[sflag:s31] =	ssyncset.done $0x0  }
0xf9: {  	[sflag:s31] =	ssyncadd.s32 $0xFFFFF9C0  }
0xfa: {  	_ =	swait.ge [sflag:s31], $0x640  }
.Ltmp0:
0xfb: {  	[sflag:s31] =	ssyncset.done $0x0;
	(pc) =	sbr.rel @p0 .LBB2_2-.Ltmp0, $4  }
0xfc: {  	s6 =	sadd.s32 $0x640, s18;
	[sflag:s31] =	ssyncadd.s32 $0xFFFFF9C0  }
0xfd: {  	[hbm4b:s6+s2] =	stream.linear.scatter [tilespmem:s11], [sflag:$0x3], $0x3200, $0x38;
	[tilespmem:$0xD400] =	vst v63  }
0xfe: {  	s26 =	smov.u32 s5;
	_ =	swait.ge [sflag:s9], $0x3200  }
0xff: {  	s22 =	sshra.s32 s4, $0x2;
	s18 =	sadd.s32 $0xC80, s18;
	[sflag:s9] =	ssyncset.done $0x0  }
0x100: {  	s4 =	sadd.s32 $0x380, s22;
	[sflag:s9] =	ssyncadd.s32 $0xFFFFCE00  }
0x101: {  	[tilespmem:s11], [sflag:$0x1] =	stream.indirect.gather [hbm4b:s3+s10], $0x20, s4, s10, $0xb8;
	[tilespmem:$0xD400] =	vst v63  }
0x102: {  	s26 =	sadd.s32 $0x3B8, s22  }
0x103: {  	[tilespmem:s13], [sflag:$0x1] =	stream.indirect.gather [hbm4b:s3+s10], $0x20, s26, s10, $0xb8;
	[tilespmem:$0xD400] =	vst v63  }
0x104: {  	s5 =	sadd.s32 $0x3F0, s22  }
0x105: {  	[tilespmem:s15], [sflag:$0x1] =	stream.indirect.gather [hbm4b:s3+s10], $0x20, s5, s10, $0xb8;
	[tilespmem:$0xD400] =	vst v63  }
0x106: {  	s6 =	sadd.s32 $0x428, s22  }
0x107: {  	[tilespmem:s17], [sflag:$0x1] =	stream.indirect.gather [hbm4b:s3+s10], $0x20, s6, s10, $0xb8;
	[tilespmem:$0xD400] =	vst v63  }
0x108: {  	s26 =	sadd.s32 $0x460, s22  }
0x109: {  	[tilespmem:s19], [sflag:$0x1] =	stream.indirect.gather [hbm4b:s3+s10], $0x20, s26, s10, $0xb8;
	[tilespmem:$0xD400] =	vst v63  }
0x10a: {  	s5 =	sadd.s32 $0x498, s22  }
0x10b: {  	[tilespmem:s21], [sflag:$0x1] =	stream.indirect.gather [hbm4b:s3+s10], $0x20, s5, s10, $0xb8;
	[tilespmem:$0xD400] =	vst v63  }
0x10c: {  	s6 =	sadd.s32 $0x4D0, s22  }
0x10d: {  	[tilespmem:s23], [sflag:$0x1] =	stream.indirect.gather [hbm4b:s3+s10], $0x20, s6, s10, $0xb8;
	[tilespmem:$0xD400] =	vst v63  }
0x10e: {  	s26 =	sadd.s32 $0x508, s22  }
0x10f: {  	[tilespmem:s25], [sflag:$0x1] =	stream.indirect.gather [hbm4b:s3+s10], $0x20, s26, s10, $0xb8;
	[tilespmem:$0xD400] =	vst v63  }
0x110: {  	_ =	swait.ge [sflag:s0], $0x640  }
0x111: {  	[sflag:s0] =	ssyncset.done $0x0  }
0x112: {  	[sflag:s0] =	ssyncadd.s32 $0xFFFFF9C0  }
0x113: {  	_ =	swait.ge [sflag:s0], $0x640  }
0x114: {  	[sflag:s0] =	ssyncset.done $0x0  }
0x115: {  	[sflag:s0] =	ssyncadd.s32 $0xFFFFF9C0  }
0x116: {  	_ =	swait.ge [sflag:s0], $0x640  }
0x117: {  	[sflag:s0] =	ssyncset.done $0x0  }
0x118: {  	[sflag:s0] =	ssyncadd.s32 $0xFFFFF9C0  }
0x119: {  	_ =	swait.ge [sflag:s0], $0x640  }
0x11a: {  	[sflag:s0] =	ssyncset.done $0x0  }
0x11b: {  	[sflag:s0] =	ssyncadd.s32 $0xFFFFF9C0  }
0x11c: {  	_ =	swait.ge [sflag:s0], $0x640  }
0x11d: {  	[sflag:s0] =	ssyncset.done $0x0  }
0x11e: {  	[sflag:s0] =	ssyncadd.s32 $0xFFFFF9C0  }
0x11f: {  	_ =	swait.ge [sflag:s0], $0x640  }
0x120: {  	[sflag:s0] =	ssyncset.done $0x0  }
0x121: {  	[sflag:s0] =	ssyncadd.s32 $0xFFFFF9C0  }
0x122: {  	_ =	swait.ge [sflag:s0], $0x640  }
0x123: {  	[sflag:s0] =	ssyncset.done $0x0  }
0x124: {  	[sflag:s0] =	ssyncadd.s32 $0xFFFFF9C0  }
0x125: {  	_ =	swait.ge [sflag:s0], $0x640  }
0x126: {  	[sflag:s0] =	ssyncset.done $0x0  }
0x127: {  	[sflag:s0] =	ssyncadd.s32 $0xFFFFF9C0  }
0x128: {  	[hbm4b:s18+s2] =	stream.linear.scatter [tilespmem:s28], [sflag:$0x3], $0x3200, $0x38;
	[tilespmem:$0xD400] =	vst v63  }
0x129: {  	_ =	swait.ge [sflag:s9], $0x3200  }
0x12a: {  	[sflag:s9] =	ssyncset.done $0x0  }
0x12b: {  	s5 =	sadd.s32 $0x540, s22;
	[sflag:s9] =	ssyncadd.s32 $0xFFFFCE00  }
0x12c: {  	[tilespmem:s28], [sflag:$0x2] =	stream.indirect.gather [hbm4b:s3+s10], $0x20, s5, s10, $0xb8;
	[tilespmem:$0xD400] =	vst v63  }
0x12d: {  	s6 =	sadd.s32 $0x578, s22  }
0x12e: {  	[tilespmem:s30], [sflag:$0x2] =	stream.indirect.gather [hbm4b:s3+s10], $0x20, s6, s10, $0xb8;
	[tilespmem:$0xD400] =	vst v63  }
0x12f: {  	s26 =	sadd.s32 $0x5B0, s22  }
0x130: {  	[tilespmem:s1], [sflag:$0x2] =	stream.indirect.gather [hbm4b:s3+s10], $0x20, s26, s10, $0xb8;
	[tilespmem:$0xD400] =	vst v63  }
0x131: {  	s5 =	sadd.s32 $0x5E8, s22  }
0x132: {  	[tilespmem:s12], [sflag:$0x2] =	stream.indirect.gather [hbm4b:s3+s10], $0x20, s5, s10, $0xb8;
	[tilespmem:$0xD400] =	vst v63  }
0x133: {  	s6 =	sadd.s32 $0x620, s22  }
0x134: {  	[tilespmem:s16], [sflag:$0x2] =	stream.indirect.gather [hbm4b:s3+s10], $0x20, s6, s10, $0xb8;
	[tilespmem:$0xD400] =	vst v63  }
0x135: {  	s26 =	sadd.s32 $0x658, s22  }
0x136: {  	[tilespmem:s20], [sflag:$0x2] =	stream.indirect.gather [hbm4b:s3+s10], $0x20, s26, s10, $0xb8;
	[tilespmem:$0xD400] =	vst v63  }
0x137: {  	s5 =	sadd.s32 $0x690, s22  }
0x138: {  	[tilespmem:s24], [sflag:$0x2] =	stream.indirect.gather [hbm4b:s3+s10], $0x20, s5, s10, $0xb8;
	[tilespmem:$0xD400] =	vst v63  }
0x139: {  	s6 =	sadd.s32 $0x6C8, s22  }
0x13a: {  	[tilespmem:s29], [sflag:$0x2] =	stream.indirect.gather [hbm4b:s3+s10], $0x20, s6, s10, $0xb8;
	[tilespmem:$0xD400] =	vst v63  }
0x13b: {  	_ =	swait.ge [sflag:s31], $0x640  }
0x13c: {  	[sflag:s31] =	ssyncset.done $0x0  }
0x13d: {  	[sflag:s31] =	ssyncadd.s32 $0xFFFFF9C0  }
0x13e: {  	_ =	swait.ge [sflag:s31], $0x640  }
0x13f: {  	[sflag:s31] =	ssyncset.done $0x0  }
0x140: {  	[sflag:s31] =	ssyncadd.s32 $0xFFFFF9C0  }
0x141: {  	_ =	swait.ge [sflag:s31], $0x640  }
0x142: {  	[sflag:s31] =	ssyncset.done $0x0  }
0x143: {  	[sflag:s31] =	ssyncadd.s32 $0xFFFFF9C0  }
0x144: {  	_ =	swait.ge [sflag:s31], $0x640  }
0x145: {  	[sflag:s31] =	ssyncset.done $0x0  }
0x146: {  	[sflag:s31] =	ssyncadd.s32 $0xFFFFF9C0  }
0x147: {  	_ =	swait.ge [sflag:s31], $0x640  }
0x148: {  	[sflag:s31] =	ssyncset.done $0x0  }
0x149: {  	[sflag:s31] =	ssyncadd.s32 $0xFFFFF9C0  }
0x14a: {  	_ =	swait.ge [sflag:s31], $0x640  }
0x14b: {  	[sflag:s31] =	ssyncset.done $0x0  }
0x14c: {  	[sflag:s31] =	ssyncadd.s32 $0xFFFFF9C0  }
0x14d: {  	_ =	swait.ge [sflag:s31], $0x640  }
0x14e: {  	[sflag:s31] =	ssyncset.done $0x0  }
0x14f: {  	[sflag:s31] =	ssyncadd.s32 $0xFFFFF9C0  }
0x150: {  	_ =	swait.ge [sflag:s31], $0x640  }
0x151: {  	[sflag:s31] =	ssyncset.done $0x0  }
0x152: {  	s22 =	sadd.s32 $0x640, s18;
	[sflag:s31] =	ssyncadd.s32 $0xFFFFF9C0  }
0x153: {  	[hbm4b:s22+s2] =	stream.linear.scatter [tilespmem:s11], [sflag:$0x3], $0x3200, $0x38;
	[tilespmem:$0xD400] =	vst v63  }
0x154: {  	_ =	swait.ge [sflag:s9], $0x3200  }
0x155: {  	[sflag:s9] =	ssyncset.done $0x0  }
0x156: {  	[sflag:s9] =	ssyncadd.s32 $0xFFFFCE00  }
0x157: {  	_ =	swait.ge [sflag:s0], $0x640  }
0x158: {  	[sflag:s0] =	ssyncset.done $0x0  }
0x159: {  	[sflag:s0] =	ssyncadd.s32 $0xFFFFF9C0  }
0x15a: {  	_ =	swait.ge [sflag:s0], $0x640  }
0x15b: {  	[sflag:s0] =	ssyncset.done $0x0  }
0x15c: {  	[sflag:s0] =	ssyncadd.s32 $0xFFFFF9C0  }
0x15d: {  	_ =	swait.ge [sflag:s0], $0x640  }
0x15e: {  	[sflag:s0] =	ssyncset.done $0x0  }
0x15f: {  	[sflag:s0] =	ssyncadd.s32 $0xFFFFF9C0  }
0x160: {  	_ =	swait.ge [sflag:s0], $0x640  }
0x161: {  	[sflag:s0] =	ssyncset.done $0x0  }
0x162: {  	[sflag:s0] =	ssyncadd.s32 $0xFFFFF9C0  }
0x163: {  	_ =	swait.ge [sflag:s0], $0x640  }
0x164: {  	[sflag:s0] =	ssyncset.done $0x0  }
0x165: {  	[sflag:s0] =	ssyncadd.s32 $0xFFFFF9C0  }
0x166: {  	_ =	swait.ge [sflag:s0], $0x640  }
0x167: {  	[sflag:s0] =	ssyncset.done $0x0  }
0x168: {  	[sflag:s0] =	ssyncadd.s32 $0xFFFFF9C0  }
0x169: {  	_ =	swait.ge [sflag:s0], $0x640  }
0x16a: {  	[sflag:s0] =	ssyncset.done $0x0  }
0x16b: {  	[sflag:s0] =	ssyncadd.s32 $0xFFFFF9C0  }
0x16c: {  	s14 =	sadd.s32 $0x1, s14;
	_ =	swait.ge [sflag:s0], $0x640  }
0x16d: {  	p0 =	sne.s32 s14, s7;
	[sflag:s0] =	ssyncset.done $0x0  }
.Ltmp1:
0x16e: {  	s26 =	rddreg [dreg:$0x5];
	[sflag:s0] =	ssyncadd.s32 $0xFFFFF9C0;
	(pc) =	sbr.rel @p0 .LBB2_1-.Ltmp1, $4  }
0x16f: {  	[hbm4b:s26+s2] =	stream.linear.scatter [tilespmem:s28], [sflag:$0x3], $0x3200, $0x38;
	[tilespmem:$0xD400] =	vst v63  }
0x170: {  	_ =	swait.ge [sflag:s9], $0x3200  }
0x171: {  	[sflag:s9] =	ssyncset.done $0x0  }
0x172: {  	[sflag:s9] =	ssyncadd.s32 $0xFFFFCE00  }
0x173: {  	_ =	sfence.sel $0x180000  }
0x174: {  	[bflag:$0x0] =	sbarrier.arrive $0xFFFF  }
0x175: {  	_ =	strace $0x90000047  }
0x176: {  	s0 =	stileid.u32;
	[bflag:$0x2] =	sbarrier.arrive $0xFFFF  }
0x177: {  	p0 =	sne.s32 s0, $0x0;
	s0 =	rddreg [dreg:$0x2]  }
0x178: {  	s0 =	sadd.s32 @!p0 $0x100000, s0  }
0x179: {  	[sflag:s0] =	ssyncadd.tile.s32 @!p0 $0x1;
	_ =	shalt  }
.Lfunc_end2:
_tile_overlayer_lowered:
.L_overlay_start_2:
0x17a: {  	(tag) =	ssettag $0x2  }
0x17b: {  	s0 =	rddreg [dreg:$0x0];
	s2 =	stileid.u32  }
0x17c: {  	s1 =	rddreg [dreg:$0x1];
	p0 =	sne.s32 s2, $0x0  }
0x17d: {  	s3 =	rddreg [dreg:$0x2];
	[bflag:$0x3] =	sbarrier.arrive $0xFFFF;
	s2 =	simm.s32 @!p0 $0x1C03  }
0x17e: {  	[timem:s3], [sflag:s2] =	dma.local @!p0 [hbm:s0], s1  }
0x17f: {  	s0 =	simm.s32 @!p0 $0x3  }
0x180: {  	_ =	swait.ge @!p0 [sflag:s0], s1  }
0x181: {  	s1 =	ssub.s32 @!p0 $0x0, s1;
	[sflag:s0] =	ssyncset.done @!p0 $0x0  }
0x182: {  	[sflag:s0] =	ssyncadd.s32 @!p0 s1  }
0x183: {  	[bflag:$0x3] =	sbarrier.arrive $0xFFFF  }
0x184: {  	_ =	shalt  }

// kernel: sparse-core-data-format-call.cloned.1.call-start
scs
called_computation_lowered:
.L_overlay_start_0:
0x0: {  	s2 =	sld [smem:$0x3FD9]  }
0x1: {  	s3 =	sld [smem:$0x3FFE];
	_ =	sdelay $0x1  }
0x2: {  	s1 =	srdreg.scid  }
0x3: {  	s0 =	sand.u32 $0x1, s1  }
0x4: {  	s18 =	sshll.u32 s0, $0xA;
	s2 =	sadd.s32 s3, s2  }
0x5: {  	s2 =	sadd.s32 s2, s18  }
0x6: {  	[smem:$0x3FC6] =	sst s2  }
0x7: {  	_ = 	snop  }
0x8: {  	s2 =	sld [smem:$0x3FD0];
	(tm) =	ssettm $0x1  }
0x9: {  	s19 =	sld [smem:$0x3FFB];
	_ =	sdelay $0x3  }
0xa: {  	_ =	strace s19  }
0xb: {  	s3 =	sld [smem:$0x3FFC];
	_ =	sdelay $0x3  }
0xc: {  	_ =	strace s3  }
0xd: {  	s3 =	sld [smem:$0x3FFD];
	_ =	sdelay $0x3  }
0xe: {  	_ =	strace s3  }
0xf: {  	_ =	strace $0x8FFFFFFF  }
0x10: {  	s20 =	sld [smem:$0x3FDB];
	_ =	sdelay $0x1  }
0x11: {  	s4 =	simm.s32 $_scs_section_size  }
0x12: {  	s5 =	simm.s32 $_size__tile_overlayer_lowered;
	s6 =	simm.s32 $_tile_overlayer_lowered  }
0x13: {  	s23 =	simm.s32 $0x1BFF;
	s22 =	sshll.u32 s6, $0x1;
	s3 =	sadd.s32 s4, s20  }
0x14: {  	s7 =	simm.s32 $0x0;
	s21 =	sshll.u32 s5, $0x1;
	s5 =	sadd.s32 s22, s3  }
0x15: {  	[timem:s7], [sflag:s23] =	dma.local [hbm:s5], s21  }
0x16: {  	_ =	swait.ge [sflag:s23], s21  }
0x17: {  	s4 =	ssub.s32 $0x0, s21;
	[sflag:s23] =	ssyncset.done $0x0  }
0x18: {  	[sflag:s23] =	ssyncadd.s32 s4;
	_ =	sdelay $0x1  }
0x19: {  	s24 =	simm.s32 $0x1B8B  }
0x1a: {  	_ =	swait.ge [sflag:s24], $0x1  }
0x1b: {  	[sflag:s24] =	ssyncset.done $0x0  }
0x1c: {  	s26 =	simm.s32 $0x1B8E;
	s25 =	sld [smem:$0x3FFE];
	[sflag:s24] =	ssyncadd.s32 $0xFFFFFFFF  }
0x1d: {  	s27 =	simm.s32 $execute0_lowered;
	[smem:$0x3FD2] =	sst s26  }
0x1e: {  	s5 =	sshll.u32 s27, $0x1;
	_ =	strace $0x80000049;
	[dreg:$0x1] =	wrdreg $0xFFFFFFFF  }
0x1f: {  	s28 =	simm.s32 $_size_execute0_lowered;
	s3 =	sadd.s32 s3, s5;
	[dreg:$0x0] =	wrdreg $0x0  }
0x20: {  	s5 =	sshll.u32 s28, $0x1;
	[dreg:$0x2] =	wrdreg s3  }
0x21: {  	[dreg:$0x3] =	wrdreg s5  }
0x22: {  	[dreg:$0x4] =	wrdreg $0xC0  }
0x23: {  	_ =	task [dreg:s7], $0x5FFFF  }
0x24: {  	[dreg:$0x1] =	wrdreg $0xFFFFFFFF  }
0x25: {  	[dreg:$0x0] =	wrdreg $0x60  }
0x26: {  	[dreg:$0x2] =	wrdreg s25  }
0x27: {  	[dreg:$0x3] =	wrdreg s2  }
0x28: {  	[dreg:$0x4] =	wrdreg $0x9  }
0x29: {  	_ =	task.clear_ibuf [dreg:s7], $0x5FFFF;
	_ =	strace $0x90000049  }
0x2a: {  	s29 =	simm.s32 $0x9;
	_ =	strace $0x8000004B  }
0x2b: {  	_ =	swait.ge [sflag:s29], $0x1  }
0x2c: {  	[sflag:s29] =	ssyncadd.s32 $0xFFFFFFFF  }
0x2d: {  	_ =	strace $0x9000004B  }
0x2e: {  	_ =	sfence  }
0x2f: {  	s30 =	sld [smem:$0x0];
	_ =	sdelay $0x2  }
0x30: {  	s31 =	sshll.u32 s1, $0xD;
	s1 =	sshrl.u32 s1, $0x2  }
0x31: {  	s3 =	sand.u32 $0x4000, s31;
	s1 =	sadd.s32 s1, s30  }
0x32: {  	s0 =	sor.u32 s3, s0;
	s1 =	sshll.u32 s1, $0x11  }
0x33: {  	s0 =	sor.u32 s1, s0  }
0x34: {  	s0 =	sadd.s32 $0x8F2B, s0  }
0x35: {  	[sflag:s0] =	ssyncadd.remote.s32 $0x1  }
0x36: {  	_ =	sfence.sel $0xFFFF  }
0x37: {  	[dreg:$0x0] =	wrdreg $0xFFFFFFFF;
	(pc) =	sbr.abs _section_cstart, $3  }
0x38: {  	[dreg:$0x1] =	wrdreg $0xFFFFFFFF  }
0x39: {  	_ =	task.clear_ibuf [dreg:s7], $0x2FFFF;
	_ =	strace $0x9FFFFFFF  }
0x3a: {  	(tm) =	ssettm $0x7FFFFFFF  }
0x3b: {  	_ =	shalt  }
tec
execute0_lowered:
.L_overlay_start_1:
0x0: {  	(tag) =	ssettag $0x1  }
0x1: {  	s0 =	srdreg.scid  }
0x2: {  	s1 =	sshll.u32 s0, $0x4  }
0x3: {  	s0 =	stileid.u32;
	s1 =	sand.u32 $0x10, s1  }
0x4: {  	s1 =	sor.u32 s0, s1  }
0x5: {  	s6 =	rddreg [dreg:$0x0];
	s4 =	simm.s32 $0x1;
	s2 =	sshll.u32 s1, $0x7  }
0x6: {  	s7 =	simm.s32 $0x2;
	s12 =	simm.s32 $0x0;
	s1 =	ssub.s32 $0x4000, s2  }
0x7: {  	s8 =	simm.s32 $0x20000;
	s13 =	simm.s32 $0x0;
	s3 =	sand.u32 $0xF80, s1  }
0x8: {  	s9 =	simm.s32 $0x0;
	s5 =	sshrl.u32 s1, $0xC;
	p0 =	sne.s32 s3, $0x0  }
.Ltmp0:
0x9: {  	s1 =	rddreg [dreg:$0x2];
	s4 =	simm.s32 @!p0 $0x0;
	(pc) =	sbr.rel .LBB1_1-.Ltmp0, $4  }
0xa: {  	s11 =	simm.s32 $0x0;
	s3 =	rddreg [dreg:$0x1];
	s5 =	sadd.s32 s4, s5  }
0xb: {  	_ =	strace $0x8000004A;
	s4 =	simm.s32 $0x1;
	s5 =	smul.u32 $0x32, s5  }
0xc: {  	s6 =	sadd.s32 $0xA00, s6;
	s10 =	smov.u32 s2;
	[sflag:s4] =	ssyncpa.u1 $0x0  }
0xd: {  	p0 =	por $0x0, $0x0;
	[sflag:s7] =	ssyncpa.u1 $0x0;
	s7 =	sor.u32 $0x1, s5  }
.LBB1_4:
0xe: {  	s16 =	sshll.u32 s13, $0x3;
	s17 =	sand.u32 $0x78, s13  }
0xf: {  	s30 =	sand.u32 $0xF800, s13;
	s12 =	sshll.u32 s12, $0x10;
	s16 =	sand.u32 $0x3C00, s16  }
0x10: {  	s31 =	sand.u32 $0x7, s13;
	s16 =	sor.u32 s17, s16;
	s17 =	sadd.s32 s3, s30  }
0x11: {  	s13 =	sshll.u32 s31, $0x12;
	s16 =	sshrl.u32 s16, $0x3;
	s12 =	sadd.s32 s12, s17  }
0x12: {  	[tilespmem:s15+$0x0 ss:$0x81] =	vst.msk $0xffff, v0;
	s13 =	sor.u32 $0x400, s13;
	s12 =	sadd.s32 s16, s12  }
0x13: {  	[hbm4b:s12+s13] =	stream.strided.scatter [tilespmem:s14], [sflag:$0x2], $0x1000, s8, s13, $0x20;
	[tilespmem:$0x4040] =	vst v63  }
.LBB1_5:
0x14: {  	s14 =	sadd.s32 $0x1, s9  }
0x15: {  	s12 =	sadd.s32 $0x1000, s10;
	s16 =	smov.u32 s10;
	p2 =	sgt.s32 s14, $0x31  }
0x16: {  	s16 =	smov.u32 @p2 s12  }
0x17: {  	s14 =	simm.s32 @p2 $0x0;
	p2 =	sgt.s32 s16, $0x3FFF  }
0x18: {  	s16 =	smov.u32 @p2 s2;
	p2 =	sne.s32 s11, s7  }
.Ltmp1:
0x19: {  	p1 =	slt.u32 s11, $0x2;
	(pc) =	sbr.rel @!p2 .LBB1_6-.Ltmp1, $4  }
0x1a: {  	s15 =	simm.s32 @!p1 $0x2  }
0x1b: {  	s13 =	smov.u32 s10;
	p0 =	por !p0, !p0;
	_ =	swait.ge @!p1 [sflag:s15], $0x1000  }
0x1c: {  	s12 =	smov.u32 s9;
	[sflag:s15] =	ssyncset.done @!p1 $0x0;
	s9 =	smov.u32 s14  }
0x1d: {  	s11 =	sadd.s32 $0x1, s11;
	[sflag:s15] =	ssyncadd.s32 @!p1 $0xFFFFF000;
	s10 =	smov.u32 s16  }
.LBB1_1:
0x1e: {  	p1 =	sge.u32 s11, s5  }
0x1f: {  	s14 =	sand.u32 @!p1 $0x1FFFFFF, s9  }
0x20: {  	s15 =	smulhi.u32 @!p1 $0x4924925, s14;
	_ =	sdelay $0x1  }
0x21: {  	s15 =	smul.u32 @!p1 $0x38, s15  }
0x22: {  	s16 =	sxor.u32 @!p1 $0xFFFFFFFF, s11;
	s17 =	smul.u32 @!p1 $0x380, s10  }
0x23: {  	s31 =	sadd.s32 $0xFFFFFFFF, s11;
	s16 =	sshll.u32 @!p1 s16, $0xC;
	s14 =	ssub.s32 @!p1 s14, s15  }
0x24: {  	s15 =	sand.u32 @!p1 $0x1000, s16;
	s16 =	sadd.s32 @!p1 s6, s17;
	s14 =	sshll.u32 @!p1 s14, $0x4  }
0x25: {  	s17 =	simm.s32 @!p1 $0x1C00;
	s14 =	sadd.s32 @!p1 s14, s16;
	s16 =	simm.s32 @!p1 $0x20  }
0x26: {  	[tilespmem:s15], [sflag:$0x1] =	stream.strided.gather @!p1 [hbm4b:s14+s16], $0x1000, s17, s16, $0x38;
	[tilespmem:$0x4040] =	vst v63  }
0x27: {  	p1 =	sge.u32 s31, s5  }
.Ltmp2:
0x28: {  	_ = 	snop;
	(pc) =	sbr.rel @p1 .LBB1_5-.Ltmp2, $1  }
0x29: {  	_ =	sdelay $0x3  }
0x2a: {  	s14 =	simm.s32 $0x1  }
0x2b: {  	_ =	swait.ge [sflag:s4], $0x1000;
	s14 =	simm.s32 @!p0 $0x0  }
0x2c: {  	[sflag:s4] =	ssyncset.done $0x0;
	s15 =	sshll.u32 s14, $0xC  }
0x2d: {  	[sflag:s4] =	ssyncadd.s32 $0xFFFFF000;
	s18 =	sor.u32 $0x10, s15  }
0x2e: {  	s14 =	smul.u32 $0x4080, s14;
	v1 =	vld [tilespmem:s18+$0x0]  }
0x2f: {  	s30 =	sand.u32 $0x1, s11;
	v0 =	vld [tilespmem:s18+$0xFFFFFFF0]  }
0x30: {  	s15 =	smul.u32 $0x4080, s30;
	s14 =	sshrl.u32 s14, $0x2  }
0x31: {  	s16 =	sor.u32 $0x2000, s14  }
0x32: {  	s31 =	sshrl.u32 s15, $0x2;
	s15 =	sadd.s32 $0x0, s16  }
0x33: {  	s17 =	simm.s32 $0x4;
	s18 =	sadd.s32 $0x20, s18;
	s14 =	sor.u32 $0x2000, s31;
	[tilespmem:s15+$0x810 ss:$0x81] =	vst.msk $0xffff, v1  }
.LBB1_3:
0x34: {  	v1 =	vld [tilespmem:s18+$0x0];
	p1 =	sne.s32 s17, $0x1FC;
	[tilespmem:s15+$0x0 ss:$0x81] =	vst.msk $0xffff, v0;
	s15 =	smov.u32 s17;
	s17 =	sadd.s32 $0x4, s17  }
.Ltmp3:
0x35: {  	v0 =	vld [tilespmem:s18+$0xFFFFFFF0];
	(pc) =	sbr.rel @p1 .LBB1_3-.Ltmp3, $4  }
0x36: {  	_ = 	snop  }
0x37: {  	s15 =	sshra.s32 s15, $0x2  }
0x38: {  	s15 =	sadd.s32 s15, s16  }
0x39: {  	s18 =	sadd.s32 $0x20, s18;
	[tilespmem:s15+$0x810 ss:$0x81] =	vst.msk $0xffff, v1  }
.Ltmp4:
0x3a: {  	_ = 	snop;
	(pc) =	sbr.rel .LBB1_4-.Ltmp4, $1  }
0x3b: {  	_ =	sdelay $0x3  }
.LBB1_6:
0x3c: {  	_ =	sfence.sel $0x180000  }
0x3d: {  	s2 =	simm.s32 $0x1;
	[bflag:$0x0] =	sbarrier.arrive $0xFFFF  }
0x3e: {  	s31 =	simm.s32 $0x2;
	[sflag:s2] =	ssyncpa.u1 $0x1  }
0x3f: {  	[sflag:s31] =	ssyncpa.u1 $0x1  }
0x40: {  	p0 =	sne.s32 s0, $0x0;
	_ =	strace $0x9000004A  }
0x41: {  	s0 =	sadd.s32 @!p0 $0x100000, s1;
	[bflag:$0x2] =	sbarrier.arrive $0xFFFF  }
0x42: {  	[sflag:s0] =	ssyncadd.tile.s32 @!p0 $0x1;
	_ =	shalt  }
.Lfunc_end1:
_tile_overlayer_lowered:
.L_overlay_start_2:
0x43: {  	(tag) =	ssettag $0x2  }
0x44: {  	s0 =	rddreg [dreg:$0x0];
	s2 =	stileid.u32  }
0x45: {  	s1 =	rddreg [dreg:$0x1];
	p0 =	sne.s32 s2, $0x0  }
0x46: {  	s3 =	rddreg [dreg:$0x2];
	[bflag:$0x3] =	sbarrier.arrive $0xFFFF;
	s2 =	simm.s32 @!p0 $0x1C01  }
0x47: {  	[timem:s3], [sflag:s2] =	dma.local @!p0 [hbm:s0], s1  }
0x48: {  	s0 =	simm.s32 @!p0 $0x1  }
0x49: {  	_ =	swait.ge @!p0 [sflag:s0], s1  }
0x4a: {  	s1 =	ssub.s32 @!p0 $0x0, s1;
	[sflag:s0] =	ssyncset.done @!p0 $0x0  }
0x4b: {  	[sflag:s0] =	ssyncadd.s32 @!p0 s1  }
0x4c: {  	[bflag:$0x3] =	sbarrier.arrive $0xFFFF  }
0x4d: {  	_ =	shalt  }

</sc_bundles>
